<compile_context>
chip_gen: v7x
topology: tpu7x:2x2x1
jax: 0.10.2.dev20260603
libtpu: 0.0.44.dev20260713+nightly
codegen_flags: <defaults>
</compile_context>

<pallas_src>
import functools

import jax
import jax.numpy as jnp
from jax import lax
from jax.experimental import pallas as pl
from jax.experimental.pallas import tpu as pltpu
from jax.experimental.pallas import tpu_sc as plsc

B, N, D, K = 2, 4096, 128, 16
R = 256
BN = B * N
BNK = BN * K
XP = 16
NEG = 3.0e38


def _knn_body(xyzf_ref, rows_ref, feat_ref, w1_ref, b1_ref, wd1_ref,
              comb_ref, gidx_ref):
    b = pl.program_id(0)
    xyz_f = xyzf_ref[0]
    rows = rows_ref[0]
    sqf = jnp.sum(xyz_f * xyz_f, axis=1, keepdims=True)
    lane_f = lax.broadcasted_iota(jnp.int32, (N, XP), 1)
    Y = jnp.where(lane_f == 3, sqf, xyz_f)
    lane_r = lax.broadcasted_iota(jnp.int32, (R, XP), 1)
    A = jnp.where(lane_r == 3, 1.0, -2.0 * rows)
    sq_col = jnp.sum(rows * rows, axis=1, keepdims=True)
    d2 = sq_col + lax.dot_general(A, Y, (((1,), (1,)), ((), ())),
                                  preferred_element_type=jnp.float32)

    iota_col = lax.broadcasted_iota(jnp.int32, (R, N), 1)
    bits = lax.bitcast_convert_type(jnp.maximum(d2, 0.0), jnp.int32)
    q = lax.bitcast_convert_type(
        jnp.bitwise_or(jnp.bitwise_and(bits, -4096), iota_col),
        jnp.float32)
    lane_k = lax.broadcasted_iota(jnp.int32, (R, K), 1)
    idx_acc = jnp.zeros((R, K), jnp.int32)
    for k in range(K):
        m = jnp.min(q, axis=1, keepdims=True)
        am = jnp.bitwise_and(lax.bitcast_convert_type(m, jnp.int32), 4095)
        idx_acc = jnp.where(lane_k == k, am, idx_acc)
        q = jnp.where(q == m, NEG, q)
    gidx_ref[0] = idx_acc + b * N

    out_v = (jnp.dot(feat_ref[0], w1_ref[...],
                     preferred_element_type=jnp.float32)
             + b1_ref[...])
    p_v = jnp.dot(rows, wd1_ref[...], preferred_element_type=jnp.float32)
    comb_ref[0] = jnp.concatenate([out_v, p_v], axis=1)


def _stage1(xyz16, feat, W1, b1, Wd1p):
    nb = xyz16.shape[0]
    nblk = N // R
    grid = (nb, nblk)
    return pl.pallas_call(
        _knn_body,
        grid=grid,
        in_specs=[
            pl.BlockSpec((1, N, XP), lambda b, i: (b, 0, 0)),
            pl.BlockSpec((1, R, XP), lambda b, i: (b, i, 0)),
            pl.BlockSpec((1, R, D), lambda b, i: (b, i, 0)),
            pl.BlockSpec((D, D), lambda b, i: (0, 0)),
            pl.BlockSpec((1, D), lambda b, i: (0, 0)),
            pl.BlockSpec((XP, D), lambda b, i: (0, 0)),
        ],
        out_specs=[
            pl.BlockSpec((1, R, 2 * D), lambda b, i: (b, i, 0)),
            pl.BlockSpec((1, R, K), lambda b, i: (b, i, 0)),
        ],
        out_shape=[
            jax.ShapeDtypeStruct((nb, N, 2 * D), jnp.float32),
            jax.ShapeDtypeStruct((nb, N, K), jnp.int32),
        ],
    )(xyz16, xyz16, feat, W1, b1, Wd1p)


def _sc_gather(gidx3, comb_tab):
    info = plsc.get_sparse_core_info()
    nc, ns = info.num_cores, info.num_subcores
    nw = nc * ns
    nrows = gidx3.shape[0] * gidx3.shape[1] * gidx3.shape[2]
    per_w = nrows // nw
    nchunk = per_w // 128
    W = 2 * D
    mesh = plsc.VectorSubcoreMesh(core_axis_name="c", subcore_axis_name="s")

    @functools.partial(
        pl.kernel, mesh=mesh,
        out_type=[
            jax.ShapeDtypeStruct((nrows, W), jnp.float32),
        ],
        scratch_types=[
            pltpu.VMEM((nchunk, 128), jnp.int32),
            pltpu.VMEM((2, 128, W), jnp.float32),
            pltpu.SemaphoreType.DMA,
            pltpu.SemaphoreType.DMA,
        ],
    )
    def k(gidx_hbm, tab_hbm, gout_hbm, idx_v, buf, s0, s1):
        wid = lax.axis_index("s") * nc + lax.axis_index("c")
        pltpu.sync_copy(gidx_hbm.at[wid], idx_v)
        base0 = wid * per_w
        sems = (s0, s1)

        def issue(c, s):
            pltpu.async_copy(tab_hbm.at[idx_v.at[c]], buf.at[s], sems[s])

        def drain_store(c, s):
            pltpu.make_async_copy(tab_hbm.at[idx_v.at[c]],
                                  buf.at[s], sems[s]).wait()
            base = base0 + c * 128
            pltpu.sync_copy(buf.at[s], gout_hbm.at[pl.ds(base, 128)])

        issue(0, 0)

        def body(i, _):
            issue(2 * i + 1, 1)
            drain_store(2 * i, 0)

            @pl.when(i < nchunk // 2 - 1)
            def _issue_next():
                issue(2 * i + 2, 0)

            drain_store(2 * i + 1, 1)
            return _

        lax.fori_loop(0, nchunk // 2, body, None)

    return k(gidx3, comb_tab)[0]


def _attn_body(comb_ref, feat_ref, gcomb_ref,
               bd1_ref, wd2_ref, bd2_ref, wg_ref,
               wsg_ref, wpg_ref, bgam_ref, wa_ref, ba_ref,
               w2_ref, b2_ref, o_ref):
    g = gcomb_ref[:, :D]
    gp = gcomb_ref[:, D:]
    p = comb_ref[:, D:]
    e1 = ((p[:, None, :] - gp.reshape(R, K, D)).reshape(R * K, D)
          + bd1_ref[...])
    delta = jnp.maximum(
        jnp.dot(e1, wd2_ref[...], preferred_element_type=jnp.float32)
        + bd2_ref[...], 0.0)
    dwg = jnp.dot(delta, wg_ref[...], preferred_element_type=jnp.float32)
    psi_t = jnp.dot(g, wsg_ref[...], preferred_element_type=jnp.float32)
    phi_t = jnp.dot(comb_ref[:, :D], wpg_ref[...],
                    preferred_element_type=jnp.float32)
    gamma = (phi_t[:, None, :] - psi_t.reshape(R, K, D)
             + dwg.reshape(R, K, D) + bgam_ref[...])
    mx = jnp.max(gamma, axis=2, keepdims=True)
    ex = jnp.exp(gamma - mx)
    rho = ex / jnp.sum(ex, axis=2, keepdims=True)
    alpha = (jnp.dot(g, wa_ref[...], preferred_element_type=jnp.float32)
             + ba_ref[...] + delta).reshape(R, K, D)
    agg = jnp.sum(rho * alpha, axis=1)
    o_ref[...] = (jnp.dot(agg, w2_ref[...],
                          preferred_element_type=jnp.float32)
                  + b2_ref[...] + feat_ref[...])


def _stage3(comb2, feat2, g_comb, weights):
    nblk = comb2.shape[0] // R
    wspecs = []
    for w in weights:
        wspecs.append(pl.BlockSpec(w.shape, lambda i, nd=w.ndim: (0,) * nd))
    return pl.pallas_call(
        _attn_body,
        grid=(nblk,),
        in_specs=[
            pl.BlockSpec((R, 2 * D), lambda i: (i, 0)),
            pl.BlockSpec((R, D), lambda i: (i, 0)),
            pl.BlockSpec((R * K, 2 * D), lambda i: (i, 0)),
        ] + wspecs,
        out_specs=pl.BlockSpec((R, D), lambda i: (i, 0)),
        out_shape=jax.ShapeDtypeStruct((comb2.shape[0], D), jnp.float32),
    )(comb2, feat2, g_comb, *weights)


def kernel(points_xyz, points_features, W1, b1, Wg, bg, Wphi, bphi,
           Wpsi, bpsi, Wa, ba, Wd1, bd1, Wd2, bd2, W2, b2):
    f32 = jnp.float32
    xyz16 = jnp.pad(points_xyz, ((0, 0), (0, 0), (0, XP - 3)))
    Wd1p = jnp.pad(Wd1, ((0, XP - 3), (0, 0)))

    Wsg = jnp.dot(Wpsi, Wg, preferred_element_type=f32)
    Wpg = jnp.dot(Wphi, Wg, preferred_element_type=f32)
    bgam = (jnp.dot((bphi - bpsi).reshape(1, D), Wg,
                    preferred_element_type=f32) + bg.reshape(1, D))
    weights = [
        bd1.reshape(1, D), Wd2, bd2.reshape(1, D), Wg,
        Wsg, Wpg, bgam, Wa, ba.reshape(1, D),
        W2, b2.reshape(1, D),
    ]

    outs = []
    for b in range(B):
        xyz_b = lax.slice_in_dim(xyz16, b, b + 1, axis=0)
        feat_b = lax.slice_in_dim(points_features, b, b + 1, axis=0)
        comb, gidx = _stage1(xyz_b, feat_b, W1, b1.reshape(1, D), Wd1p)
        comb2 = comb.reshape(N, 2 * D)
        gidx3 = gidx.reshape(32, N * K // 32 // 128, 128)
        g_comb = _sc_gather(gidx3, comb2)
        feat2 = feat_b.reshape(N, D)
        o = _stage3(comb2, feat2, g_comb, weights)
        outs.append(o.reshape(1, N, D))
    return (points_xyz, jnp.concatenate(outs, axis=0))

# --- scband reference (transcript-rebuilt; emitter-appended) ---
"""Pipeline reference for scband-point-transformer-block-17841294147944 (READ-ONLY COPY).

The authoritative reference and input builder live on the scoring server;
editing this copy changes nothing except your own understanding.
"""

import jax, jax.numpy as jnp
import numpy as np

B, N, IN_DIM, OUT_DIM, K = 2, 4096, 128, 128, 16


def _linear_params(key, fan_in, fan_out):
    k1, k2 = jax.random.split(key)
    W = jax.random.normal(k1, (fan_in, fan_out), dtype=jnp.float32) * 0.05
    b = jax.random.normal(k2, (fan_out,), dtype=jnp.float32) * 0.05
    return W, b


def setup_inputs(seed: int = 0) -> dict:
    key = jax.random.key(seed)
    ks = jax.random.split(key, 12)
    points_xyz = jax.random.normal(ks[0], (B, N, 3), dtype=jnp.float32)
    points_features = jax.random.normal(ks[1], (B, N, IN_DIM), dtype=jnp.float32)
    W1, b1 = _linear_params(ks[2], IN_DIM, OUT_DIM)
    Wg, bg = _linear_params(ks[3], OUT_DIM, OUT_DIM)
    Wphi, bphi = _linear_params(ks[4], OUT_DIM, OUT_DIM)
    Wpsi, bpsi = _linear_params(ks[5], OUT_DIM, OUT_DIM)
    Wa, ba = _linear_params(ks[6], OUT_DIM, OUT_DIM)
    Wd1, bd1 = _linear_params(ks[7], 3, OUT_DIM)
    Wd2, bd2 = _linear_params(ks[8], OUT_DIM, OUT_DIM)
    W2, b2 = _linear_params(ks[9], OUT_DIM, IN_DIM)
    return {
        "points_xyz": points_xyz, "points_features": points_features,
        "W1": W1, "b1": b1, "Wg": Wg, "bg": bg,
        "Wphi": Wphi, "bphi": bphi, "Wpsi": Wpsi, "bpsi": bpsi,
        "Wa": Wa, "ba": ba, "Wd1": Wd1, "bd1": bd1,
        "Wd2": Wd2, "bd2": bd2, "W2": W2, "b2": b2,
    }


def index_points(points, idx):
    # points: [B, N, C]; idx: [B, S] or [B, S, K] -> [B, S, (K,) C]
    raw = idx.shape
    flat = idx.reshape(raw[0], -1)  # [B, S*K]
    res = jnp.take_along_axis(points, flat[..., None], axis=1)  # [B, S*K, C]
    return res.reshape(*raw, points.shape[-1])


def reference(points_xyz, points_features, W1, b1, Wg, bg, Wphi, bphi,
              Wpsi, bpsi, Wa, ba, Wd1, bd1, Wd2, bd2, W2, b2):
    residual = points_features
    # cdist via expansion-free formula
    sq = jnp.sum(points_xyz ** 2, axis=-1)  # [B, N]
    d2 = sq[:, :, None] + sq[:, None, :] - 2.0 * jnp.einsum('bnc,bmc->bnm', points_xyz, points_xyz)
    dist = jnp.sqrt(jnp.maximum(d2, 0.0))
    # k nearest (smallest distance)
    _, idx = jax.lax.top_k(-dist, K)  # [B, N, K]
    neighbours_xyz = index_points(points_xyz, idx)  # [B, N, K, 3]
    out = points_features @ W1 + b1  # [B, N, OUT_DIM]
    nbr_feat = index_points(out, idx)  # [B, N, K, OUT_DIM]
    # positional encoding delta
    diff = points_xyz[:, :, None, :] - neighbours_xyz  # [B, N, K, 3]
    delta = jax.nn.relu((diff @ Wd1 + bd1) @ Wd2 + bd2)  # [B, N, K, OUT_DIM]
    phi_out = (out @ Wphi + bphi)[:, :, None, :]  # [B, N, 1, OUT_DIM]
    psi_out = nbr_feat @ Wpsi + bpsi  # [B, N, K, OUT_DIM]
    beta = phi_out - psi_out + delta
    gamma_out = beta @ Wg + bg
    rho = jax.nn.softmax(gamma_out, axis=-1)  # softmax over channel dim (faithful to torch dim=-1)
    alpha_out = nbr_feat @ Wa + ba + delta
    agg = jnp.sum(rho * alpha_out, axis=2)  # [B, N, OUT_DIM]
    out_final = agg @ W2 + b2 + residual  # [B, N, IN_DIM]
    return (points_xyz, out_final)

if __name__ == "__main__":
    import jax
    _d = setup_inputs()
    print(jax.jit(kernel)(*tuple(_d.values())))

</pallas_src>

<mosaic_0001>
#map = affine_map<(d0, d1) -> (0, 0, 0)>
#map1 = affine_map<(d0, d1) -> (0, 0)>
module attributes {stable_mosaic.version = 14 : i64} {
  func.func @k(%arg0: i32, %arg1: i32, %arg2: memref<32x16x128xi32, #tpu.memory_space<hbm>>, %arg3: memref<4096x256xf32, #tpu.memory_space<hbm>>, %arg4: memref<65536x256xf32, #tpu.memory_space<hbm>>, %arg5: memref<16x128xi32, #tpu.memory_space<vmem>>, %arg6: memref<2x128x256xf32, #tpu.memory_space<vmem>>, %arg7: memref<!tpu.dma_semaphore, #tpu.memory_space<semaphore_mem>>, %arg8: memref<!tpu.dma_semaphore, #tpu.memory_space<semaphore_mem>>) attributes {dimension_semantics = [#tpu.dimension_semantics<core_parallel>, #tpu.dimension_semantics<subcore_parallel>], iteration_bounds = array<i64: 2, 16>, scalar_prefetch = 0 : i64, scratch_operands = 4 : i64, tpu.core_type = #tpu.core_type<sc_vector_subcore>, window_params = [{transform_indices = #map}, {transform_indices = #map1}, {transform_indices = #map1}]} {
    %mul3A = arith.constant 2 : i32
    %mul3A_0 = arith.muli %arg1, %mul3A : i32
    %add3A = arith.addi %mul3A_0, %arg0 : i32
    "tpu.region"() ({
      %run_scoped3A = tpu.sem_alloc : memref<!tpu.dma_semaphore, #tpu.memory_space<semaphore_mem>>
      %dma_start3A_18 = arith.constant 0 : i32
      %dma_start3A_19 = arith.constant 0 : i32
      %dma_start3A_20 = tpu.memref_slice %arg2[%add3A, %dma_start3A_18, %dma_start3A_19] : memref<32x16x128xi32, #tpu.memory_space<hbm>> -> memref<1x16x128xi32, #tpu.memory_space<hbm>>
      %dma_start3A_21 = tpu.memref_squeeze %dma_start3A_20 : memref<1x16x128xi32, #tpu.memory_space<hbm>> -> memref<16x128xi32, #tpu.memory_space<hbm>>
      %dma_start3A_22 = arith.constant 0 : i32
      %dma_start3A_23 = arith.constant 0 : i32
      %dma_start3A_24 = tpu.memref_slice %arg2[%add3A, %dma_start3A_22, %dma_start3A_23] : memref<32x16x128xi32, #tpu.memory_space<hbm>> -> memref<1x16x128xi32, #tpu.memory_space<hbm>>
      %dma_start3A_25 = tpu.memref_squeeze %dma_start3A_24 : memref<1x16x128xi32, #tpu.memory_space<hbm>> -> memref<16x128xi32, #tpu.memory_space<hbm>>
      tpu.enqueue_dma source(%dma_start3A_25 : memref<16x128xi32, #tpu.memory_space<hbm>>) target(%arg5 : memref<16x128xi32, #tpu.memory_space<vmem>>) target_semaphore(%run_scoped3A : memref<!tpu.dma_semaphore, #tpu.memory_space<semaphore_mem>>)
      %dma_wait3A = arith.constant 0 : i32
      %dma_wait3A_26 = arith.constant 0 : i32
      %dma_wait3A_27 = tpu.memref_slice %arg2[%add3A, %dma_wait3A, %dma_wait3A_26] : memref<32x16x128xi32, #tpu.memory_space<hbm>> -> memref<1x16x128xi32, #tpu.memory_space<hbm>>
      %dma_wait3A_28 = tpu.memref_squeeze %dma_wait3A_27 : memref<1x16x128xi32, #tpu.memory_space<hbm>> -> memref<16x128xi32, #tpu.memory_space<hbm>>
      %dma_wait3A_29 = arith.constant 0 : i32
      %dma_wait3A_30 = arith.constant 0 : i32
      %dma_wait3A_31 = tpu.memref_slice %arg2[%add3A, %dma_wait3A_29, %dma_wait3A_30] : memref<32x16x128xi32, #tpu.memory_space<hbm>> -> memref<1x16x128xi32, #tpu.memory_space<hbm>>
      %dma_wait3A_32 = tpu.memref_squeeze %dma_wait3A_31 : memref<1x16x128xi32, #tpu.memory_space<hbm>> -> memref<16x128xi32, #tpu.memory_space<hbm>>
      tpu.wait_dma2 semaphore(%run_scoped3A : memref<!tpu.dma_semaphore, #tpu.memory_space<semaphore_mem>>) src(%dma_wait3A_32 : memref<16x128xi32, #tpu.memory_space<hbm>>) dst(%arg5 : memref<16x128xi32, #tpu.memory_space<vmem>>)
      tpu.yield
    }) : () -> ()
    %mul3A_1 = arith.constant 2048 : i32
    %mul3A_2 = arith.muli %add3A, %mul3A_1 : i32
    %dma_start3A = arith.constant 0 : i32
    %dma_start3A_3 = arith.constant 0 : i32
    %dma_start3A_4 = arith.constant 0 : i32
    %dma_start3A_5 = arith.constant 0 : i32
    %dma_start3A_6 = tpu.memref_slice %arg6[%dma_start3A_3, %dma_start3A_4, %dma_start3A_5] : memref<2x128x256xf32, #tpu.memory_space<vmem>> -> memref<1x128x256xf32, #tpu.memory_space<vmem>>
    %dma_start3A_7 = tpu.memref_squeeze %dma_start3A_6 : memref<1x128x256xf32, #tpu.memory_space<vmem>> -> memref<128x256xf32, #tpu.memory_space<vmem>>
    %dma_start3A_8 = arith.constant 0 : i32
    %dma_start3A_9 = tpu.memref_slice %arg5[%dma_start3A, %dma_start3A_8] : memref<16x128xi32, #tpu.memory_space<vmem>> -> memref<1x128xi32, #tpu.memory_space<vmem>>
    %dma_start3A_10 = tpu.memref_squeeze %dma_start3A_9 : memref<1x128xi32, #tpu.memory_space<vmem>> -> memref<128xi32, #tpu.memory_space<vmem>>
    %dma_start3A_11 = arith.constant 0 : i32
    %dma_start3A_12 = arith.constant 0 : i32
    %dma_start3A_13 = tpu.memref_slice %arg3[%dma_start3A_11, %dma_start3A_12] : memref<4096x256xf32, #tpu.memory_space<hbm>> -> memref<4096x256xf32, #tpu.memory_space<hbm>>
    tpu.enqueue_indirect_dma source(%dma_start3A_13 : memref<4096x256xf32, #tpu.memory_space<hbm>>) target(%dma_start3A_7 : memref<128x256xf32, #tpu.memory_space<vmem>>) offsets(%dma_start3A_10 : memref<128xi32, #tpu.memory_space<vmem>>) semaphore(%arg7 : memref<!tpu.dma_semaphore, #tpu.memory_space<semaphore_mem>>)
    %scan3A = arith.constant 0 : i32
    %scan3A_14 = arith.constant 8 : i32
    %scan3A_15 = arith.addi %scan3A, %scan3A_14 : i32
    %scan3A_16 = arith.constant 1 : i32
    scf.for %scan3A_18 = %scan3A to %scan3A_15 step %scan3A_16  : i32 {
      %mul3A_19 = arith.constant 2 : i32
      %mul3A_20 = arith.muli %mul3A_19, %scan3A_18 : i32
      %add3A_21 = arith.constant 1 : i32
      %add3A_22 = arith.addi %mul3A_20, %add3A_21 : i32
      %dma_start3A_23 = arith.constant 1 : i32
      %dma_start3A_24 = arith.constant 0 : i32
      %dma_start3A_25 = arith.constant 0 : i32
      %dma_start3A_26 = tpu.memref_slice %arg6[%dma_start3A_23, %dma_start3A_24, %dma_start3A_25] : memref<2x128x256xf32, #tpu.memory_space<vmem>> -> memref<1x128x256xf32, #tpu.memory_space<vmem>>
      %dma_start3A_27 = tpu.memref_squeeze %dma_start3A_26 : memref<1x128x256xf32, #tpu.memory_space<vmem>> -> memref<128x256xf32, #tpu.memory_space<vmem>>
      %dma_start3A_28 = arith.constant 0 : i32
      %dma_start3A_29 = tpu.memref_slice %arg5[%add3A_22, %dma_start3A_28] : memref<16x128xi32, #tpu.memory_space<vmem>> -> memref<1x128xi32, #tpu.memory_space<vmem>>
      %dma_start3A_30 = tpu.memref_squeeze %dma_start3A_29 : memref<1x128xi32, #tpu.memory_space<vmem>> -> memref<128xi32, #tpu.memory_space<vmem>>
      %dma_start3A_31 = arith.constant 0 : i32
      %dma_start3A_32 = arith.constant 0 : i32
      %dma_start3A_33 = tpu.memref_slice %arg3[%dma_start3A_31, %dma_start3A_32] : memref<4096x256xf32, #tpu.memory_space<hbm>> -> memref<4096x256xf32, #tpu.memory_space<hbm>>
      tpu.enqueue_indirect_dma source(%dma_start3A_33 : memref<4096x256xf32, #tpu.memory_space<hbm>>) target(%dma_start3A_27 : memref<128x256xf32, #tpu.memory_space<vmem>>) offsets(%dma_start3A_30 : memref<128xi32, #tpu.memory_space<vmem>>) semaphore(%arg8 : memref<!tpu.dma_semaphore, #tpu.memory_space<semaphore_mem>>)
      %mul3A_34 = arith.constant 2 : i32
      %mul3A_35 = arith.muli %mul3A_34, %scan3A_18 : i32
      %dma_wait3A = arith.constant 0 : i32
      %dma_wait3A_36 = arith.constant 0 : i32
      %dma_wait3A_37 = arith.constant 0 : i32
      %dma_wait3A_38 = tpu.memref_slice %arg6[%dma_wait3A, %dma_wait3A_36, %dma_wait3A_37] : memref<2x128x256xf32, #tpu.memory_space<vmem>> -> memref<1x128x256xf32, #tpu.memory_space<vmem>>
      %dma_wait3A_39 = tpu.memref_squeeze %dma_wait3A_38 : memref<1x128x256xf32, #tpu.memory_space<vmem>> -> memref<128x256xf32, #tpu.memory_space<vmem>>
      %dma_wait3A_40 = arith.constant 0 : i32
      %dma_wait3A_41 = tpu.memref_slice %arg5[%mul3A_35, %dma_wait3A_40] : memref<16x128xi32, #tpu.memory_space<vmem>> -> memref<1x128xi32, #tpu.memory_space<vmem>>
      %dma_wait3A_42 = tpu.memref_squeeze %dma_wait3A_41 : memref<1x128xi32, #tpu.memory_space<vmem>> -> memref<128xi32, #tpu.memory_space<vmem>>
      %dma_wait3A_43 = arith.constant 0 : i32
      %dma_wait3A_44 = arith.constant 0 : i32
      %dma_wait3A_45 = tpu.memref_slice %arg3[%dma_wait3A_43, %dma_wait3A_44] : memref<4096x256xf32, #tpu.memory_space<hbm>> -> memref<4096x256xf32, #tpu.memory_space<hbm>>
      tpu.wait_indirect_dma semaphore(%arg7 : memref<!tpu.dma_semaphore, #tpu.memory_space<semaphore_mem>>) src(%dma_wait3A_45 : memref<4096x256xf32, #tpu.memory_space<hbm>>) dst(%dma_wait3A_39 : memref<128x256xf32, #tpu.memory_space<vmem>>)
      %mul3A_46 = arith.constant 128 : i32
      %mul3A_47 = arith.muli %mul3A_35, %mul3A_46 : i32
      %add3A_48 = arith.addi %mul3A_2, %mul3A_47 : i32
      %run_scoped3A = arith.constant 0 : i32
      "tpu.region"() ({
        %run_scoped3A_70 = tpu.sem_alloc : memref<!tpu.dma_semaphore, #tpu.memory_space<semaphore_mem>>
        %dma_start3A_71 = arith.constant 0 : i32
        %dma_start3A_72 = arith.constant 0 : i32
        %dma_start3A_73 = tpu.memref_slice %arg6[%run_scoped3A, %dma_start3A_71, %dma_start3A_72] : memref<2x128x256xf32, #tpu.memory_space<vmem>> -> memref<1x128x256xf32, #tpu.memory_space<vmem>>
        %dma_start3A_74 = tpu.memref_squeeze %dma_start3A_73 : memref<1x128x256xf32, #tpu.memory_space<vmem>> -> memref<128x256xf32, #tpu.memory_space<vmem>>
        %dma_start3A_75 = arith.constant 0 : i32
        %dma_start3A_76 = tpu.memref_slice %arg4[%add3A_48, %dma_start3A_75] : memref<65536x256xf32, #tpu.memory_space<hbm>> -> memref<128x256xf32, #tpu.memory_space<hbm>>
        %dma_start3A_77 = arith.constant 0 : i32
        %dma_start3A_78 = tpu.memref_slice %arg4[%add3A_48, %dma_start3A_77] : memref<65536x256xf32, #tpu.memory_space<hbm>> -> memref<128x256xf32, #tpu.memory_space<hbm>>
        %dma_start3A_79 = arith.constant 0 : i32
        %dma_start3A_80 = arith.constant 0 : i32
        %dma_start3A_81 = tpu.memref_slice %arg6[%run_scoped3A, %dma_start3A_79, %dma_start3A_80] : memref<2x128x256xf32, #tpu.memory_space<vmem>> -> memref<1x128x256xf32, #tpu.memory_space<vmem>>
        %dma_start3A_82 = tpu.memref_squeeze %dma_start3A_81 : memref<1x128x256xf32, #tpu.memory_space<vmem>> -> memref<128x256xf32, #tpu.memory_space<vmem>>
        tpu.enqueue_dma source(%dma_start3A_82 : memref<128x256xf32, #tpu.memory_space<vmem>>) target(%dma_start3A_78 : memref<128x256xf32, #tpu.memory_space<hbm>>) target_semaphore(%run_scoped3A_70 : memref<!tpu.dma_semaphore, #tpu.memory_space<semaphore_mem>>)
        %dma_wait3A_83 = arith.constant 0 : i32
        %dma_wait3A_84 = arith.constant 0 : i32
        %dma_wait3A_85 = tpu.memref_slice %arg6[%run_scoped3A, %dma_wait3A_83, %dma_wait3A_84] : memref<2x128x256xf32, #tpu.memory_space<vmem>> -> memref<1x128x256xf32, #tpu.memory_space<vmem>>
        %dma_wait3A_86 = tpu.memref_squeeze %dma_wait3A_85 : memref<1x128x256xf32, #tpu.memory_space<vmem>> -> memref<128x256xf32, #tpu.memory_space<vmem>>
        %dma_wait3A_87 = arith.constant 0 : i32
        %dma_wait3A_88 = tpu.memref_slice %arg4[%add3A_48, %dma_wait3A_87] : memref<65536x256xf32, #tpu.memory_space<hbm>> -> memref<128x256xf32, #tpu.memory_space<hbm>>
        %dma_wait3A_89 = arith.constant 0 : i32
        %dma_wait3A_90 = tpu.memref_slice %arg4[%add3A_48, %dma_wait3A_89] : memref<65536x256xf32, #tpu.memory_space<hbm>> -> memref<128x256xf32, #tpu.memory_space<hbm>>
        %dma_wait3A_91 = arith.constant 0 : i32
        %dma_wait3A_92 = arith.constant 0 : i32
        %dma_wait3A_93 = tpu.memref_slice %arg6[%run_scoped3A, %dma_wait3A_91, %dma_wait3A_92] : memref<2x128x256xf32, #tpu.memory_space<vmem>> -> memref<1x128x256xf32, #tpu.memory_space<vmem>>
        %dma_wait3A_94 = tpu.memref_squeeze %dma_wait3A_93 : memref<1x128x256xf32, #tpu.memory_space<vmem>> -> memref<128x256xf32, #tpu.memory_space<vmem>>
        tpu.wait_dma2 semaphore(%run_scoped3A_70 : memref<!tpu.dma_semaphore, #tpu.memory_space<semaphore_mem>>) src(%dma_wait3A_94 : memref<128x256xf32, #tpu.memory_space<vmem>>) dst(%dma_wait3A_90 : memref<128x256xf32, #tpu.memory_space<hbm>>)
        tpu.yield
      }) : () -> ()
      %lt3A = arith.constant 7 : i32
      %lt3A_49 = arith.cmpi slt, %scan3A_18, %lt3A : i32
      %convert_element_type3A = arith.extui %lt3A_49 : i1 to i32
      %cond3A = arith.constant 0 : i32
      %cond3A_50 = arith.cmpi ne, %convert_element_type3A, %cond3A : i32
      scf.if %cond3A_50 {
        %mul3A_70 = arith.constant 2 : i32
        %mul3A_71 = arith.muli %mul3A_70, %scan3A_18 : i32
        %add3A_72 = arith.constant 2 : i32
        %add3A_73 = arith.addi %mul3A_71, %add3A_72 : i32
        %dma_start3A_74 = arith.constant 0 : i32
        %dma_start3A_75 = arith.constant 0 : i32
        %dma_start3A_76 = arith.constant 0 : i32
        %dma_start3A_77 = tpu.memref_slice %arg6[%dma_start3A_74, %dma_start3A_75, %dma_start3A_76] : memref<2x128x256xf32, #tpu.memory_space<vmem>> -> memref<1x128x256xf32, #tpu.memory_space<vmem>>
        %dma_start3A_78 = tpu.memref_squeeze %dma_start3A_77 : memref<1x128x256xf32, #tpu.memory_space<vmem>> -> memref<128x256xf32, #tpu.memory_space<vmem>>
        %dma_start3A_79 = arith.constant 0 : i32
        %dma_start3A_80 = tpu.memref_slice %arg5[%add3A_73, %dma_start3A_79] : memref<16x128xi32, #tpu.memory_space<vmem>> -> memref<1x128xi32, #tpu.memory_space<vmem>>
        %dma_start3A_81 = tpu.memref_squeeze %dma_start3A_80 : memref<1x128xi32, #tpu.memory_space<vmem>> -> memref<128xi32, #tpu.memory_space<vmem>>
        %dma_start3A_82 = arith.constant 0 : i32
        %dma_start3A_83 = arith.constant 0 : i32
        %dma_start3A_84 = tpu.memref_slice %arg3[%dma_start3A_82, %dma_start3A_83] : memref<4096x256xf32, #tpu.memory_space<hbm>> -> memref<4096x256xf32, #tpu.memory_space<hbm>>
        tpu.enqueue_indirect_dma source(%dma_start3A_84 : memref<4096x256xf32, #tpu.memory_space<hbm>>) target(%dma_start3A_78 : memref<128x256xf32, #tpu.memory_space<vmem>>) offsets(%dma_start3A_81 : memref<128xi32, #tpu.memory_space<vmem>>) semaphore(%arg7 : memref<!tpu.dma_semaphore, #tpu.memory_space<semaphore_mem>>)
      } else {
      }
      %mul3A_51 = arith.constant 2 : i32
      %mul3A_52 = arith.muli %mul3A_51, %scan3A_18 : i32
      %add3A_53 = arith.constant 1 : i32
      %add3A_54 = arith.addi %mul3A_52, %add3A_53 : i32
      %dma_wait3A_55 = arith.constant 1 : i32
      %dma_wait3A_56 = arith.constant 0 : i32
      %dma_wait3A_57 = arith.constant 0 : i32
      %dma_wait3A_58 = tpu.memref_slice %arg6[%dma_wait3A_55, %dma_wait3A_56, %dma_wait3A_57] : memref<2x128x256xf32, #tpu.memory_space<vmem>> -> memref<1x128x256xf32, #tpu.memory_space<vmem>>
      %dma_wait3A_59 = tpu.memref_squeeze %dma_wait3A_58 : memref<1x128x256xf32, #tpu.memory_space<vmem>> -> memref<128x256xf32, #tpu.memory_space<vmem>>
      %dma_wait3A_60 = arith.constant 0 : i32
      %dma_wait3A_61 = tpu.memref_slice %arg5[%add3A_54, %dma_wait3A_60] : memref<16x128xi32, #tpu.memory_space<vmem>> -> memref<1x128xi32, #tpu.memory_space<vmem>>
      %dma_wait3A_62 = tpu.memref_squeeze %dma_wait3A_61 : memref<1x128xi32, #tpu.memory_space<vmem>> -> memref<128xi32, #tpu.memory_space<vmem>>
      %dma_wait3A_63 = arith.constant 0 : i32
      %dma_wait3A_64 = arith.constant 0 : i32
      %dma_wait3A_65 = tpu.memref_slice %arg3[%dma_wait3A_63, %dma_wait3A_64] : memref<4096x256xf32, #tpu.memory_space<hbm>> -> memref<4096x256xf32, #tpu.memory_space<hbm>>
      tpu.wait_indirect_dma semaphore(%arg8 : memref<!tpu.dma_semaphore, #tpu.memory_space<semaphore_mem>>) src(%dma_wait3A_65 : memref<4096x256xf32, #tpu.memory_space<hbm>>) dst(%dma_wait3A_59 : memref<128x256xf32, #tpu.memory_space<vmem>>)
      %mul3A_66 = arith.constant 128 : i32
      %mul3A_67 = arith.muli %add3A_54, %mul3A_66 : i32
      %add3A_68 = arith.addi %mul3A_2, %mul3A_67 : i32
      %run_scoped3A_69 = arith.constant 1 : i32
      "tpu.region"() ({
        %run_scoped3A_70 = tpu.sem_alloc : memref<!tpu.dma_semaphore, #tpu.memory_space<semaphore_mem>>
        %dma_start3A_71 = arith.constant 0 : i32
        %dma_start3A_72 = arith.constant 0 : i32
        %dma_start3A_73 = tpu.memref_slice %arg6[%run_scoped3A_69, %dma_start3A_71, %dma_start3A_72] : memref<2x128x256xf32, #tpu.memory_space<vmem>> -> memref<1x128x256xf32, #tpu.memory_space<vmem>>
        %dma_start3A_74 = tpu.memref_squeeze %dma_start3A_73 : memref<1x128x256xf32, #tpu.memory_space<vmem>> -> memref<128x256xf32, #tpu.memory_space<vmem>>
        %dma_start3A_75 = arith.constant 0 : i32
        %dma_start3A_76 = tpu.memref_slice %arg4[%add3A_68, %dma_start3A_75] : memref<65536x256xf32, #tpu.memory_space<hbm>> -> memref<128x256xf32, #tpu.memory_space<hbm>>
        %dma_start3A_77 = arith.constant 0 : i32
        %dma_start3A_78 = tpu.memref_slice %arg4[%add3A_68, %dma_start3A_77] : memref<65536x256xf32, #tpu.memory_space<hbm>> -> memref<128x256xf32, #tpu.memory_space<hbm>>
        %dma_start3A_79 = arith.constant 0 : i32
        %dma_start3A_80 = arith.constant 0 : i32
        %dma_start3A_81 = tpu.memref_slice %arg6[%run_scoped3A_69, %dma_start3A_79, %dma_start3A_80] : memref<2x128x256xf32, #tpu.memory_space<vmem>> -> memref<1x128x256xf32, #tpu.memory_space<vmem>>
        %dma_start3A_82 = tpu.memref_squeeze %dma_start3A_81 : memref<1x128x256xf32, #tpu.memory_space<vmem>> -> memref<128x256xf32, #tpu.memory_space<vmem>>
        tpu.enqueue_dma source(%dma_start3A_82 : memref<128x256xf32, #tpu.memory_space<vmem>>) target(%dma_start3A_78 : memref<128x256xf32, #tpu.memory_space<hbm>>) target_semaphore(%run_scoped3A_70 : memref<!tpu.dma_semaphore, #tpu.memory_space<semaphore_mem>>)
        %dma_wait3A_83 = arith.constant 0 : i32
        %dma_wait3A_84 = arith.constant 0 : i32
        %dma_wait3A_85 = tpu.memref_slice %arg6[%run_scoped3A_69, %dma_wait3A_83, %dma_wait3A_84] : memref<2x128x256xf32, #tpu.memory_space<vmem>> -> memref<1x128x256xf32, #tpu.memory_space<vmem>>
        %dma_wait3A_86 = tpu.memref_squeeze %dma_wait3A_85 : memref<1x128x256xf32, #tpu.memory_space<vmem>> -> memref<128x256xf32, #tpu.memory_space<vmem>>
        %dma_wait3A_87 = arith.constant 0 : i32
        %dma_wait3A_88 = tpu.memref_slice %arg4[%add3A_68, %dma_wait3A_87] : memref<65536x256xf32, #tpu.memory_space<hbm>> -> memref<128x256xf32, #tpu.memory_space<hbm>>
        %dma_wait3A_89 = arith.constant 0 : i32
        %dma_wait3A_90 = tpu.memref_slice %arg4[%add3A_68, %dma_wait3A_89] : memref<65536x256xf32, #tpu.memory_space<hbm>> -> memref<128x256xf32, #tpu.memory_space<hbm>>
        %dma_wait3A_91 = arith.constant 0 : i32
        %dma_wait3A_92 = arith.constant 0 : i32
        %dma_wait3A_93 = tpu.memref_slice %arg6[%run_scoped3A_69, %dma_wait3A_91, %dma_wait3A_92] : memref<2x128x256xf32, #tpu.memory_space<vmem>> -> memref<1x128x256xf32, #tpu.memory_space<vmem>>
        %dma_wait3A_94 = tpu.memref_squeeze %dma_wait3A_93 : memref<1x128x256xf32, #tpu.memory_space<vmem>> -> memref<128x256xf32, #tpu.memory_space<vmem>>
        tpu.wait_dma2 semaphore(%run_scoped3A_70 : memref<!tpu.dma_semaphore, #tpu.memory_space<semaphore_mem>>) src(%dma_wait3A_94 : memref<128x256xf32, #tpu.memory_space<vmem>>) dst(%dma_wait3A_90 : memref<128x256xf32, #tpu.memory_space<hbm>>)
        tpu.yield
      }) : () -> ()
    }
    %scan3A_17 = arith.constant 8 : i32
    return
  }
}

#map = affine_map<(d0, d1) -> (0, 0, 0)>
#map1 = affine_map<(d0, d1) -> (0, 0)>
module attributes {stable_mosaic.version = 14 : i64} {
  func.func @k(%arg0: i32, %arg1: i32, %arg2: memref<32x16x128xi32, #tpu.memory_space<hbm>>, %arg3: memref<4096x256xf32, #tpu.memory_space<hbm>>, %arg4: memref<65536x256xf32, #tpu.memory_space<hbm>>, %arg5: memref<16x128xi32, #tpu.memory_space<vmem>>, %arg6: memref<2x128x256xf32, #tpu.memory_space<vmem>>, %arg7: memref<!tpu.dma_semaphore, #tpu.memory_space<semaphore_mem>>, %arg8: memref<!tpu.dma_semaphore, #tpu.memory_space<semaphore_mem>>) attributes {dimension_semantics = [#tpu.dimension_semantics<core_parallel>, #tpu.dimension_semantics<subcore_parallel>], iteration_bounds = array<i64: 2, 16>, scalar_prefetch = 0 : i64, scratch_operands = 4 : i64, tpu.core_type = #tpu.core_type<sc_vector_subcore>, window_params = [{transform_indices = #map}, {transform_indices = #map1}, {transform_indices = #map1}]} {
    %mul3A = arith.constant 2 : i32
    %mul3A_0 = arith.muli %arg1, %mul3A : i32
    %add3A = arith.addi %mul3A_0, %arg0 : i32
    "tpu.region"() ({
      %run_scoped3A = tpu.sem_alloc : memref<!tpu.dma_semaphore, #tpu.memory_space<semaphore_mem>>
      %dma_start3A_18 = arith.constant 0 : i32
      %dma_start3A_19 = arith.constant 0 : i32
      %dma_start3A_20 = tpu.memref_slice %arg2[%add3A, %dma_start3A_18, %dma_start3A_19] : memref<32x16x128xi32, #tpu.memory_space<hbm>> -> memref<1x16x128xi32, #tpu.memory_space<hbm>>
      %dma_start3A_21 = tpu.memref_squeeze %dma_start3A_20 : memref<1x16x128xi32, #tpu.memory_space<hbm>> -> memref<16x128xi32, #tpu.memory_space<hbm>>
      %dma_start3A_22 = arith.constant 0 : i32
      %dma_start3A_23 = arith.constant 0 : i32
      %dma_start3A_24 = tpu.memref_slice %arg2[%add3A, %dma_start3A_22, %dma_start3A_23] : memref<32x16x128xi32, #tpu.memory_space<hbm>> -> memref<1x16x128xi32, #tpu.memory_space<hbm>>
      %dma_start3A_25 = tpu.memref_squeeze %dma_start3A_24 : memref<1x16x128xi32, #tpu.memory_space<hbm>> -> memref<16x128xi32, #tpu.memory_space<hbm>>
      tpu.enqueue_dma source(%dma_start3A_25 : memref<16x128xi32, #tpu.memory_space<hbm>>) target(%arg5 : memref<16x128xi32, #tpu.memory_space<vmem>>) target_semaphore(%run_scoped3A : memref<!tpu.dma_semaphore, #tpu.memory_space<semaphore_mem>>)
      %dma_wait3A = arith.constant 0 : i32
      %dma_wait3A_26 = arith.constant 0 : i32
      %dma_wait3A_27 = tpu.memref_slice %arg2[%add3A, %dma_wait3A, %dma_wait3A_26] : memref<32x16x128xi32, #tpu.memory_space<hbm>> -> memref<1x16x128xi32, #tpu.memory_space<hbm>>
      %dma_wait3A_28 = tpu.memref_squeeze %dma_wait3A_27 : memref<1x16x128xi32, #tpu.memory_space<hbm>> -> memref<16x128xi32, #tpu.memory_space<hbm>>
      %dma_wait3A_29 = arith.constant 0 : i32
      %dma_wait3A_30 = arith.constant 0 : i32
      %dma_wait3A_31 = tpu.memref_slice %arg2[%add3A, %dma_wait3A_29, %dma_wait3A_30] : memref<32x16x128xi32, #tpu.memory_space<hbm>> -> memref<1x16x128xi32, #tpu.memory_space<hbm>>
      %dma_wait3A_32 = tpu.memref_squeeze %dma_wait3A_31 : memref<1x16x128xi32, #tpu.memory_space<hbm>> -> memref<16x128xi32, #tpu.memory_space<hbm>>
      tpu.wait_dma2 semaphore(%run_scoped3A : memref<!tpu.dma_semaphore, #tpu.memory_space<semaphore_mem>>) src(%dma_wait3A_32 : memref<16x128xi32, #tpu.memory_space<hbm>>) dst(%arg5 : memref<16x128xi32, #tpu.memory_space<vmem>>)
      tpu.yield
    }) : () -> ()
    %mul3A_1 = arith.constant 2048 : i32
    %mul3A_2 = arith.muli %add3A, %mul3A_1 : i32
    %dma_start3A = arith.constant 0 : i32
    %dma_start3A_3 = arith.constant 0 : i32
    %dma_start3A_4 = arith.constant 0 : i32
    %dma_start3A_5 = arith.constant 0 : i32
    %dma_start3A_6 = tpu.memref_slice %arg6[%dma_start3A_3, %dma_start3A_4, %dma_start3A_5] : memref<2x128x256xf32, #tpu.memory_space<vmem>> -> memref<1x128x256xf32, #tpu.memory_space<vmem>>
    %dma_start3A_7 = tpu.memref_squeeze %dma_start3A_6 : memref<1x128x256xf32, #tpu.memory_space<vmem>> -> memref<128x256xf32, #tpu.memory_space<vmem>>
    %dma_start3A_8 = arith.constant 0 : i32
    %dma_start3A_9 = tpu.memref_slice %arg5[%dma_start3A, %dma_start3A_8] : memref<16x128xi32, #tpu.memory_space<vmem>> -> memref<1x128xi32, #tpu.memory_space<vmem>>
    %dma_start3A_10 = tpu.memref_squeeze %dma_start3A_9 : memref<1x128xi32, #tpu.memory_space<vmem>> -> memref<128xi32, #tpu.memory_space<vmem>>
    %dma_start3A_11 = arith.constant 0 : i32
    %dma_start3A_12 = arith.constant 0 : i32
    %dma_start3A_13 = tpu.memref_slice %arg3[%dma_start3A_11, %dma_start3A_12] : memref<4096x256xf32, #tpu.memory_space<hbm>> -> memref<4096x256xf32, #tpu.memory_space<hbm>>
    tpu.enqueue_indirect_dma source(%dma_start3A_13 : memref<4096x256xf32, #tpu.memory_space<hbm>>) target(%dma_start3A_7 : memref<128x256xf32, #tpu.memory_space<vmem>>) offsets(%dma_start3A_10 : memref<128xi32, #tpu.memory_space<vmem>>) semaphore(%arg7 : memref<!tpu.dma_semaphore, #tpu.memory_space<semaphore_mem>>)
    %scan3A = arith.constant 0 : i32
    %scan3A_14 = arith.constant 8 : i32
    %scan3A_15 = arith.addi %scan3A, %scan3A_14 : i32
    %scan3A_16 = arith.constant 1 : i32
    scf.for %scan3A_18 = %scan3A to %scan3A_15 step %scan3A_16  : i32 {
      %mul3A_19 = arith.constant 2 : i32
      %mul3A_20 = arith.muli %mul3A_19, %scan3A_18 : i32
      %add3A_21 = arith.constant 1 : i32
      %add3A_22 = arith.addi %mul3A_20, %add3A_21 : i32
      %dma_start3A_23 = arith.constant 1 : i32
      %dma_start3A_24 = arith.constant 0 : i32
      %dma_start3A_25 = arith.constant 0 : i32
      %dma_start3A_26 = tpu.memref_slice %arg6[%dma_start3A_23, %dma_start3A_24, %dma_start3A_25] : memref<2x128x256xf32, #tpu.memory_space<vmem>> -> memref<1x128x256xf32, #tpu.memory_space<vmem>>
      %dma_start3A_27 = tpu.memref_squeeze %dma_start3A_26 : memref<1x128x256xf32, #tpu.memory_space<vmem>> -> memref<128x256xf32, #tpu.memory_space<vmem>>
      %dma_start3A_28 = arith.constant 0 : i32
      %dma_start3A_29 = tpu.memref_slice %arg5[%add3A_22, %dma_start3A_28] : memref<16x128xi32, #tpu.memory_space<vmem>> -> memref<1x128xi32, #tpu.memory_space<vmem>>
      %dma_start3A_30 = tpu.memref_squeeze %dma_start3A_29 : memref<1x128xi32, #tpu.memory_space<vmem>> -> memref<128xi32, #tpu.memory_space<vmem>>
      %dma_start3A_31 = arith.constant 0 : i32
      %dma_start3A_32 = arith.constant 0 : i32
      %dma_start3A_33 = tpu.memref_slice %arg3[%dma_start3A_31, %dma_start3A_32] : memref<4096x256xf32, #tpu.memory_space<hbm>> -> memref<4096x256xf32, #tpu.memory_space<hbm>>
      tpu.enqueue_indirect_dma source(%dma_start3A_33 : memref<4096x256xf32, #tpu.memory_space<hbm>>) target(%dma_start3A_27 : memref<128x256xf32, #tpu.memory_space<vmem>>) offsets(%dma_start3A_30 : memref<128xi32, #tpu.memory_space<vmem>>) semaphore(%arg8 : memref<!tpu.dma_semaphore, #tpu.memory_space<semaphore_mem>>)
      %mul3A_34 = arith.constant 2 : i32
      %mul3A_35 = arith.muli %mul3A_34, %scan3A_18 : i32
      %dma_wait3A = arith.constant 0 : i32
      %dma_wait3A_36 = arith.constant 0 : i32
      %dma_wait3A_37 = arith.constant 0 : i32
      %dma_wait3A_38 = tpu.memref_slice %arg6[%dma_wait3A, %dma_wait3A_36, %dma_wait3A_37] : memref<2x128x256xf32, #tpu.memory_space<vmem>> -> memref<1x128x256xf32, #tpu.memory_space<vmem>>
      %dma_wait3A_39 = tpu.memref_squeeze %dma_wait3A_38 : memref<1x128x256xf32, #tpu.memory_space<vmem>> -> memref<128x256xf32, #tpu.memory_space<vmem>>
      %dma_wait3A_40 = arith.constant 0 : i32
      %dma_wait3A_41 = tpu.memref_slice %arg5[%mul3A_35, %dma_wait3A_40] : memref<16x128xi32, #tpu.memory_space<vmem>> -> memref<1x128xi32, #tpu.memory_space<vmem>>
      %dma_wait3A_42 = tpu.memref_squeeze %dma_wait3A_41 : memref<1x128xi32, #tpu.memory_space<vmem>> -> memref<128xi32, #tpu.memory_space<vmem>>
      %dma_wait3A_43 = arith.constant 0 : i32
      %dma_wait3A_44 = arith.constant 0 : i32
      %dma_wait3A_45 = tpu.memref_slice %arg3[%dma_wait3A_43, %dma_wait3A_44] : memref<4096x256xf32, #tpu.memory_space<hbm>> -> memref<4096x256xf32, #tpu.memory_space<hbm>>
      tpu.wait_indirect_dma semaphore(%arg7 : memref<!tpu.dma_semaphore, #tpu.memory_space<semaphore_mem>>) src(%dma_wait3A_45 : memref<4096x256xf32, #tpu.memory_space<hbm>>) dst(%dma_wait3A_39 : memref<128x256xf32, #tpu.memory_space<vmem>>)
      %mul3A_46 = arith.constant 128 : i32
      %mul3A_47 = arith.muli %mul3A_35, %mul3A_46 : i32
      %add3A_48 = arith.addi %mul3A_2, %mul3A_47 : i32
      %run_scoped3A = arith.constant 0 : i32
      "tpu.region"() ({
        %run_scoped3A_70 = tpu.sem_alloc : memref<!tpu.dma_semaphore, #tpu.memory_space<semaphore_mem>>
        %dma_start3A_71 = arith.constant 0 : i32
        %dma_start3A_72 = arith.constant 0 : i32
        %dma_start3A_73 = tpu.memref_slice %arg6[%run_scoped3A, %dma_start3A_71, %dma_start3A_72] : memref<2x128x256xf32, #tpu.memory_space<vmem>> -> memref<1x128x256xf32, #tpu.memory_space<vmem>>
        %dma_start3A_74 = tpu.memref_squeeze %dma_start3A_73 : memref<1x128x256xf32, #tpu.memory_space<vmem>> -> memref<128x256xf32, #tpu.memory_space<vmem>>
        %dma_start3A_75 = arith.constant 0 : i32
        %dma_start3A_76 = tpu.memref_slice %arg4[%add3A_48, %dma_start3A_75] : memref<65536x256xf32, #tpu.memory_space<hbm>> -> memref<128x256xf32, #tpu.memory_space<hbm>>
        %dma_start3A_77 = arith.constant 0 : i32
        %dma_start3A_78 = tpu.memref_slice %arg4[%add3A_48, %dma_start3A_77] : memref<65536x256xf32, #tpu.memory_space<hbm>> -> memref<128x256xf32, #tpu.memory_space<hbm>>
        %dma_start3A_79 = arith.constant 0 : i32
        %dma_start3A_80 = arith.constant 0 : i32
        %dma_start3A_81 = tpu.memref_slice %arg6[%run_scoped3A, %dma_start3A_79, %dma_start3A_80] : memref<2x128x256xf32, #tpu.memory_space<vmem>> -> memref<1x128x256xf32, #tpu.memory_space<vmem>>
        %dma_start3A_82 = tpu.memref_squeeze %dma_start3A_81 : memref<1x128x256xf32, #tpu.memory_space<vmem>> -> memref<128x256xf32, #tpu.memory_space<vmem>>
        tpu.enqueue_dma source(%dma_start3A_82 : memref<128x256xf32, #tpu.memory_space<vmem>>) target(%dma_start3A_78 : memref<128x256xf32, #tpu.memory_space<hbm>>) target_semaphore(%run_scoped3A_70 : memref<!tpu.dma_semaphore, #tpu.memory_space<semaphore_mem>>)
        %dma_wait3A_83 = arith.constant 0 : i32
        %dma_wait3A_84 = arith.constant 0 : i32
        %dma_wait3A_85 = tpu.memref_slice %arg6[%run_scoped3A, %dma_wait3A_83, %dma_wait3A_84] : memref<2x128x256xf32, #tpu.memory_space<vmem>> -> memref<1x128x256xf32, #tpu.memory_space<vmem>>
        %dma_wait3A_86 = tpu.memref_squeeze %dma_wait3A_85 : memref<1x128x256xf32, #tpu.memory_space<vmem>> -> memref<128x256xf32, #tpu.memory_space<vmem>>
        %dma_wait3A_87 = arith.constant 0 : i32
        %dma_wait3A_88 = tpu.memref_slice %arg4[%add3A_48, %dma_wait3A_87] : memref<65536x256xf32, #tpu.memory_space<hbm>> -> memref<128x256xf32, #tpu.memory_space<hbm>>
        %dma_wait3A_89 = arith.constant 0 : i32
        %dma_wait3A_90 = tpu.memref_slice %arg4[%add3A_48, %dma_wait3A_89] : memref<65536x256xf32, #tpu.memory_space<hbm>> -> memref<128x256xf32, #tpu.memory_space<hbm>>
        %dma_wait3A_91 = arith.constant 0 : i32
        %dma_wait3A_92 = arith.constant 0 : i32
        %dma_wait3A_93 = tpu.memref_slice %arg6[%run_scoped3A, %dma_wait3A_91, %dma_wait3A_92] : memref<2x128x256xf32, #tpu.memory_space<vmem>> -> memref<1x128x256xf32, #tpu.memory_space<vmem>>
        %dma_wait3A_94 = tpu.memref_squeeze %dma_wait3A_93 : memref<1x128x256xf32, #tpu.memory_space<vmem>> -> memref<128x256xf32, #tpu.memory_space<vmem>>
        tpu.wait_dma2 semaphore(%run_scoped3A_70 : memref<!tpu.dma_semaphore, #tpu.memory_space<semaphore_mem>>) src(%dma_wait3A_94 : memref<128x256xf32, #tpu.memory_space<vmem>>) dst(%dma_wait3A_90 : memref<128x256xf32, #tpu.memory_space<hbm>>)
        tpu.yield
      }) : () -> ()
      %lt3A = arith.constant 7 : i32
      %lt3A_49 = arith.cmpi slt, %scan3A_18, %lt3A : i32
      %convert_element_type3A = arith.extui %lt3A_49 : i1 to i32
      %cond3A = arith.constant 0 : i32
      %cond3A_50 = arith.cmpi ne, %convert_element_type3A, %cond3A : i32
      scf.if %cond3A_50 {
        %mul3A_70 = arith.constant 2 : i32
        %mul3A_71 = arith.muli %mul3A_70, %scan3A_18 : i32
        %add3A_72 = arith.constant 2 : i32
        %add3A_73 = arith.addi %mul3A_71, %add3A_72 : i32
        %dma_start3A_74 = arith.constant 0 : i32
        %dma_start3A_75 = arith.constant 0 : i32
        %dma_start3A_76 = arith.constant 0 : i32
        %dma_start3A_77 = tpu.memref_slice %arg6[%dma_start3A_74, %dma_start3A_75, %dma_start3A_76] : memref<2x128x256xf32, #tpu.memory_space<vmem>> -> memref<1x128x256xf32, #tpu.memory_space<vmem>>
        %dma_start3A_78 = tpu.memref_squeeze %dma_start3A_77 : memref<1x128x256xf32, #tpu.memory_space<vmem>> -> memref<128x256xf32, #tpu.memory_space<vmem>>
        %dma_start3A_79 = arith.constant 0 : i32
        %dma_start3A_80 = tpu.memref_slice %arg5[%add3A_73, %dma_start3A_79] : memref<16x128xi32, #tpu.memory_space<vmem>> -> memref<1x128xi32, #tpu.memory_space<vmem>>
        %dma_start3A_81 = tpu.memref_squeeze %dma_start3A_80 : memref<1x128xi32, #tpu.memory_space<vmem>> -> memref<128xi32, #tpu.memory_space<vmem>>
        %dma_start3A_82 = arith.constant 0 : i32
        %dma_start3A_83 = arith.constant 0 : i32
        %dma_start3A_84 = tpu.memref_slice %arg3[%dma_start3A_82, %dma_start3A_83] : memref<4096x256xf32, #tpu.memory_space<hbm>> -> memref<4096x256xf32, #tpu.memory_space<hbm>>
        tpu.enqueue_indirect_dma source(%dma_start3A_84 : memref<4096x256xf32, #tpu.memory_space<hbm>>) target(%dma_start3A_78 : memref<128x256xf32, #tpu.memory_space<vmem>>) offsets(%dma_start3A_81 : memref<128xi32, #tpu.memory_space<vmem>>) semaphore(%arg7 : memref<!tpu.dma_semaphore, #tpu.memory_space<semaphore_mem>>)
      } else {
      }
      %mul3A_51 = arith.constant 2 : i32
      %mul3A_52 = arith.muli %mul3A_51, %scan3A_18 : i32
      %add3A_53 = arith.constant 1 : i32
      %add3A_54 = arith.addi %mul3A_52, %add3A_53 : i32
      %dma_wait3A_55 = arith.constant 1 : i32
      %dma_wait3A_56 = arith.constant 0 : i32
      %dma_wait3A_57 = arith.constant 0 : i32
      %dma_wait3A_58 = tpu.memref_slice %arg6[%dma_wait3A_55, %dma_wait3A_56, %dma_wait3A_57] : memref<2x128x256xf32, #tpu.memory_space<vmem>> -> memref<1x128x256xf32, #tpu.memory_space<vmem>>
      %dma_wait3A_59 = tpu.memref_squeeze %dma_wait3A_58 : memref<1x128x256xf32, #tpu.memory_space<vmem>> -> memref<128x256xf32, #tpu.memory_space<vmem>>
      %dma_wait3A_60 = arith.constant 0 : i32
      %dma_wait3A_61 = tpu.memref_slice %arg5[%add3A_54, %dma_wait3A_60] : memref<16x128xi32, #tpu.memory_space<vmem>> -> memref<1x128xi32, #tpu.memory_space<vmem>>
      %dma_wait3A_62 = tpu.memref_squeeze %dma_wait3A_61 : memref<1x128xi32, #tpu.memory_space<vmem>> -> memref<128xi32, #tpu.memory_space<vmem>>
      %dma_wait3A_63 = arith.constant 0 : i32
      %dma_wait3A_64 = arith.constant 0 : i32
      %dma_wait3A_65 = tpu.memref_slice %arg3[%dma_wait3A_63, %dma_wait3A_64] : memref<4096x256xf32, #tpu.memory_space<hbm>> -> memref<4096x256xf32, #tpu.memory_space<hbm>>
      tpu.wait_indirect_dma semaphore(%arg8 : memref<!tpu.dma_semaphore, #tpu.memory_space<semaphore_mem>>) src(%dma_wait3A_65 : memref<4096x256xf32, #tpu.memory_space<hbm>>) dst(%dma_wait3A_59 : memref<128x256xf32, #tpu.memory_space<vmem>>)
      %mul3A_66 = arith.constant 128 : i32
      %mul3A_67 = arith.muli %add3A_54, %mul3A_66 : i32
      %add3A_68 = arith.addi %mul3A_2, %mul3A_67 : i32
      %run_scoped3A_69 = arith.constant 1 : i32
      "tpu.region"() ({
        %run_scoped3A_70 = tpu.sem_alloc : memref<!tpu.dma_semaphore, #tpu.memory_space<semaphore_mem>>
        %dma_start3A_71 = arith.constant 0 : i32
        %dma_start3A_72 = arith.constant 0 : i32
        %dma_start3A_73 = tpu.memref_slice %arg6[%run_scoped3A_69, %dma_start3A_71, %dma_start3A_72] : memref<2x128x256xf32, #tpu.memory_space<vmem>> -> memref<1x128x256xf32, #tpu.memory_space<vmem>>
        %dma_start3A_74 = tpu.memref_squeeze %dma_start3A_73 : memref<1x128x256xf32, #tpu.memory_space<vmem>> -> memref<128x256xf32, #tpu.memory_space<vmem>>
        %dma_start3A_75 = arith.constant 0 : i32
        %dma_start3A_76 = tpu.memref_slice %arg4[%add3A_68, %dma_start3A_75] : memref<65536x256xf32, #tpu.memory_space<hbm>> -> memref<128x256xf32, #tpu.memory_space<hbm>>
        %dma_start3A_77 = arith.constant 0 : i32
        %dma_start3A_78 = tpu.memref_slice %arg4[%add3A_68, %dma_start3A_77] : memref<65536x256xf32, #tpu.memory_space<hbm>> -> memref<128x256xf32, #tpu.memory_space<hbm>>
        %dma_start3A_79 = arith.constant 0 : i32
        %dma_start3A_80 = arith.constant 0 : i32
        %dma_start3A_81 = tpu.memref_slice %arg6[%run_scoped3A_69, %dma_start3A_79, %dma_start3A_80] : memref<2x128x256xf32, #tpu.memory_space<vmem>> -> memref<1x128x256xf32, #tpu.memory_space<vmem>>
        %dma_start3A_82 = tpu.memref_squeeze %dma_start3A_81 : memref<1x128x256xf32, #tpu.memory_space<vmem>> -> memref<128x256xf32, #tpu.memory_space<vmem>>
        tpu.enqueue_dma source(%dma_start3A_82 : memref<128x256xf32, #tpu.memory_space<vmem>>) target(%dma_start3A_78 : memref<128x256xf32, #tpu.memory_space<hbm>>) target_semaphore(%run_scoped3A_70 : memref<!tpu.dma_semaphore, #tpu.memory_space<semaphore_mem>>)
        %dma_wait3A_83 = arith.constant 0 : i32
        %dma_wait3A_84 = arith.constant 0 : i32
        %dma_wait3A_85 = tpu.memref_slice %arg6[%run_scoped3A_69, %dma_wait3A_83, %dma_wait3A_84] : memref<2x128x256xf32, #tpu.memory_space<vmem>> -> memref<1x128x256xf32, #tpu.memory_space<vmem>>
        %dma_wait3A_86 = tpu.memref_squeeze %dma_wait3A_85 : memref<1x128x256xf32, #tpu.memory_space<vmem>> -> memref<128x256xf32, #tpu.memory_space<vmem>>
        %dma_wait3A_87 = arith.constant 0 : i32
        %dma_wait3A_88 = tpu.memref_slice %arg4[%add3A_68, %dma_wait3A_87] : memref<65536x256xf32, #tpu.memory_space<hbm>> -> memref<128x256xf32, #tpu.memory_space<hbm>>
        %dma_wait3A_89 = arith.constant 0 : i32
        %dma_wait3A_90 = tpu.memref_slice %arg4[%add3A_68, %dma_wait3A_89] : memref<65536x256xf32, #tpu.memory_space<hbm>> -> memref<128x256xf32, #tpu.memory_space<hbm>>
        %dma_wait3A_91 = arith.constant 0 : i32
        %dma_wait3A_92 = arith.constant 0 : i32
        %dma_wait3A_93 = tpu.memref_slice %arg6[%run_scoped3A_69, %dma_wait3A_91, %dma_wait3A_92] : memref<2x128x256xf32, #tpu.memory_space<vmem>> -> memref<1x128x256xf32, #tpu.memory_space<vmem>>
        %dma_wait3A_94 = tpu.memref_squeeze %dma_wait3A_93 : memref<1x128x256xf32, #tpu.memory_space<vmem>> -> memref<128x256xf32, #tpu.memory_space<vmem>>
        tpu.wait_dma2 semaphore(%run_scoped3A_70 : memref<!tpu.dma_semaphore, #tpu.memory_space<semaphore_mem>>) src(%dma_wait3A_94 : memref<128x256xf32, #tpu.memory_space<vmem>>) dst(%dma_wait3A_90 : memref<128x256xf32, #tpu.memory_space<hbm>>)
        tpu.yield
      }) : () -> ()
    }
    %scan3A_17 = arith.constant 8 : i32
    return
  }
}

module attributes {stable_mosaic.version = 14 : i64} {
  func.func @_knn_body(%arg0: i32, %arg1: i32, %arg2: memref<1x4096x16xf32, #tpu.memory_space<vmem>>, %arg3: memref<1x256x16xf32, #tpu.memory_space<vmem>>, %arg4: memref<1x256x128xf32, #tpu.memory_space<vmem>>, %arg5: memref<128x128xf32, #tpu.memory_space<vmem>>, %arg6: memref<1x128xf32, #tpu.memory_space<vmem>>, %arg7: memref<16x128xf32, #tpu.memory_space<vmem>>, %arg8: memref<1x256x256xf32, #tpu.memory_space<vmem>>, %arg9: memref<1x256x16xi32, #tpu.memory_space<vmem>>) attributes {dimension_semantics = [#tpu.dimension_semantics<arbitrary>, #tpu.dimension_semantics<arbitrary>], iteration_bounds = array<i64: 1, 16>, scalar_prefetch = 0 : i64, scratch_operands = 0 : i64, tpu.core_type = #tpu.core_type<tc>, window_params = [{transform_indices = @transform_0, window_bounds = array<i64: 1, 4096, 16>}, {transform_indices = @transform_1, window_bounds = array<i64: 1, 256, 16>}, {transform_indices = @transform_2, window_bounds = array<i64: 1, 256, 128>}, {pipeline_mode = #tpu.pipeline_mode<synchronous>, transform_indices = @transform_3, window_bounds = array<i64: 128, 128>}, {pipeline_mode = #tpu.pipeline_mode<synchronous>, transform_indices = @transform_4, window_bounds = array<i64: 1, 128>}, {pipeline_mode = #tpu.pipeline_mode<synchronous>, transform_indices = @transform_5, window_bounds = array<i64: 16, 128>}, {transform_indices = @transform_6, window_bounds = array<i64: 1, 256, 256>}, {transform_indices = @transform_7, window_bounds = array<i64: 1, 256, 16>}]} {
    %get3A = arith.constant 0 : index
    %get3A_0 = arith.constant 0 : index
    %get3A_1 = arith.constant 0 : index
    %get3A_2 = vector.load %arg2[%get3A, %get3A_0, %get3A_1] : memref<1x4096x16xf32, #tpu.memory_space<vmem>>, vector<1x4096x16xf32>
    %get3A_3 = vector.shape_cast %get3A_2 : vector<1x4096x16xf32> to vector<4096x16xf32>
    %get3A_4 = arith.constant 0 : index
    %get3A_5 = arith.constant 0 : index
    %get3A_6 = arith.constant 0 : index
    %get3A_7 = vector.load %arg3[%get3A_4, %get3A_5, %get3A_6] : memref<1x256x16xf32, #tpu.memory_space<vmem>>, vector<1x256x16xf32>
    %get3A_8 = vector.shape_cast %get3A_7 : vector<1x256x16xf32> to vector<256x16xf32>
    %mul3A = arith.mulf %get3A_3, %get3A_3 : vector<4096x16xf32>
    %reduce_sum3A = arith.constant dense<0.000000e+00> : vector<4096xf32>
    %reduce_sum3A_9 = vector.multi_reduction <add>, %mul3A, %reduce_sum3A [1] : vector<4096x16xf32> to vector<4096xf32>
    %broadcast_in_dim3A = vector.shape_cast %reduce_sum3A_9 : vector<4096xf32> to vector<4096x1xf32>
    %iota3A = tpu.iota {dimensions = array<i32: 1>} : vector<4096x16xi32>
    %eq3A = arith.constant 3 : i32
    %eq3A_10 = vector.broadcast %eq3A : i32 to vector<4096x16xi32>
    %eq3A_11 = arith.cmpi eq, %iota3A, %eq3A_10 : vector<4096x16xi32>
    %broadcast_in_dim3A_12 = vector.shape_cast %broadcast_in_dim3A : vector<4096x1xf32> to vector<4096x1xf32>
    %broadcast_in_dim3A_13 = vector.broadcast %broadcast_in_dim3A_12 : vector<4096x1xf32> to vector<4096x16xf32>
    %select_n3A = arith.select %eq3A_11, %broadcast_in_dim3A_13, %get3A_3 : vector<4096x16xi1>, vector<4096x16xf32>
    %iota3A_14 = tpu.iota {dimensions = array<i32: 1>} : vector<256x16xi32>
    %eq3A_15 = arith.constant 3 : i32
    %eq3A_16 = vector.broadcast %eq3A_15 : i32 to vector<256x16xi32>
    %eq3A_17 = arith.cmpi eq, %iota3A_14, %eq3A_16 : vector<256x16xi32>
    %mul3A_18 = arith.constant -2.000000e+00 : f32
    %mul3A_19 = vector.broadcast %mul3A_18 : f32 to vector<256x16xf32>
    %mul3A_20 = arith.mulf %mul3A_19, %get3A_8 : vector<256x16xf32>
    %jit3A = arith.constant 1.000000e+00 : f32
    %broadcast_in_dim3A_21 = vector.broadcast %jit3A : f32 to vector<256x16xf32>
    %select_n3A_22 = arith.select %eq3A_17, %broadcast_in_dim3A_21, %mul3A_20 : vector<256x16xi1>, vector<256x16xf32>
    %mul3A_23 = arith.mulf %get3A_8, %get3A_8 : vector<256x16xf32>
    %reduce_sum3A_24 = arith.constant dense<0.000000e+00> : vector<256xf32>
    %reduce_sum3A_25 = vector.multi_reduction <add>, %mul3A_23, %reduce_sum3A_24 [1] : vector<256x16xf32> to vector<256xf32>
    %broadcast_in_dim3A_26 = vector.shape_cast %reduce_sum3A_25 : vector<256xf32> to vector<256x1xf32>
    %dot_general3A = arith.constant dense<0.000000e+00> : vector<256x4096xf32>
    %dot_general3A_27 = tpu.matmul %select_n3A_22, %select_n3A, %dot_general3A {dimension_numbers = #tpu.dot_dimension_numbers<[1], [1], [0], [0], [0, 0, 1, 0], [], []>, transpose_lhs_hint = false} : vector<256x16xf32>, vector<4096x16xf32>, vector<256x4096xf32> -> vector<256x4096xf32>
    %add3A = vector.broadcast %broadcast_in_dim3A_26 : vector<256x1xf32> to vector<256x4096xf32>
    %add3A_28 = arith.addf %add3A, %dot_general3A_27 : vector<256x4096xf32>
    %iota3A_29 = tpu.iota {dimensions = array<i32: 1>} : vector<256x4096xi32>
    %max3A = arith.constant 0.000000e+00 : f32
    %max3A_30 = vector.broadcast %max3A : f32 to vector<256x4096xf32>
    %max3A_31 = arith.maximumf %add3A_28, %max3A_30 : vector<256x4096xf32>
    %bitcast_convert_type3A = tpu.bitcast %max3A_31 : vector<256x4096xf32> -> vector<256x4096xi32>
    %and3A = arith.constant -4096 : i32
    %and3A_32 = vector.broadcast %and3A : i32 to vector<256x4096xi32>
    %and3A_33 = arith.andi %bitcast_convert_type3A, %and3A_32 : vector<256x4096xi32>
    %or3A = arith.ori %and3A_33, %iota3A_29 : vector<256x4096xi32>
    %bitcast_convert_type3A_34 = tpu.bitcast %or3A : vector<256x4096xi32> -> vector<256x4096xf32>
    %iota3A_35 = tpu.iota {dimensions = array<i32: 1>} : vector<256x16xi32>
    %broadcast_in_dim3A_36 = arith.constant 0 : i32
    %broadcast_in_dim3A_37 = vector.broadcast %broadcast_in_dim3A_36 : i32 to vector<256x16xi32>
    %reduce_min3A = arith.constant dense<0x7F800000> : vector<256xf32>
    %reduce_min3A_38 = vector.multi_reduction <minimumf>, %bitcast_convert_type3A_34, %reduce_min3A [1] : vector<256x4096xf32> to vector<256xf32>
    %broadcast_in_dim3A_39 = vector.shape_cast %reduce_min3A_38 : vector<256xf32> to vector<256x1xf32>
    %bitcast_convert_type3A_40 = tpu.bitcast %broadcast_in_dim3A_39 : vector<256x1xf32> -> vector<256x1xi32>
    %and3A_41 = arith.constant 4095 : i32
    %and3A_42 = vector.broadcast %and3A_41 : i32 to vector<256x1xi32>
    %and3A_43 = arith.andi %bitcast_convert_type3A_40, %and3A_42 : vector<256x1xi32>
    %eq3A_44 = arith.constant 0 : i32
    %eq3A_45 = vector.broadcast %eq3A_44 : i32 to vector<256x16xi32>
    %eq3A_46 = arith.cmpi eq, %iota3A_35, %eq3A_45 : vector<256x16xi32>
    %broadcast_in_dim3A_47 = vector.shape_cast %and3A_43 : vector<256x1xi32> to vector<256x1xi32>
    %broadcast_in_dim3A_48 = vector.broadcast %broadcast_in_dim3A_47 : vector<256x1xi32> to vector<256x16xi32>
    %select_n3A_49 = arith.select %eq3A_46, %broadcast_in_dim3A_48, %broadcast_in_dim3A_37 : vector<256x16xi1>, vector<256x16xi32>
    %eq3A_50 = vector.broadcast %broadcast_in_dim3A_39 : vector<256x1xf32> to vector<256x4096xf32>
    %eq3A_51 = arith.cmpf oeq, %bitcast_convert_type3A_34, %eq3A_50 : vector<256x4096xf32>
    %jit3A_52 = arith.constant 3.000000e+38 : f32
    %broadcast_in_dim3A_53 = vector.broadcast %jit3A_52 : f32 to vector<256x4096xf32>
    %select_n3A_54 = arith.select %eq3A_51, %broadcast_in_dim3A_53, %bitcast_convert_type3A_34 : vector<256x4096xi1>, vector<256x4096xf32>
    %reduce_min3A_55 = arith.constant dense<0x7F800000> : vector<256xf32>
    %reduce_min3A_56 = vector.multi_reduction <minimumf>, %select_n3A_54, %reduce_min3A_55 [1] : vector<256x4096xf32> to vector<256xf32>
    %broadcast_in_dim3A_57 = vector.shape_cast %reduce_min3A_56 : vector<256xf32> to vector<256x1xf32>
    %bitcast_convert_type3A_58 = tpu.bitcast %broadcast_in_dim3A_57 : vector<256x1xf32> -> vector<256x1xi32>
    %and3A_59 = arith.constant 4095 : i32
    %and3A_60 = vector.broadcast %and3A_59 : i32 to vector<256x1xi32>
    %and3A_61 = arith.andi %bitcast_convert_type3A_58, %and3A_60 : vector<256x1xi32>
    %eq3A_62 = arith.constant 1 : i32
    %eq3A_63 = vector.broadcast %eq3A_62 : i32 to vector<256x16xi32>
    %eq3A_64 = arith.cmpi eq, %iota3A_35, %eq3A_63 : vector<256x16xi32>
    %broadcast_in_dim3A_65 = vector.shape_cast %and3A_61 : vector<256x1xi32> to vector<256x1xi32>
    %broadcast_in_dim3A_66 = vector.broadcast %broadcast_in_dim3A_65 : vector<256x1xi32> to vector<256x16xi32>
    %select_n3A_67 = arith.select %eq3A_64, %broadcast_in_dim3A_66, %select_n3A_49 : vector<256x16xi1>, vector<256x16xi32>
    %eq3A_68 = vector.broadcast %broadcast_in_dim3A_57 : vector<256x1xf32> to vector<256x4096xf32>
    %eq3A_69 = arith.cmpf oeq, %select_n3A_54, %eq3A_68 : vector<256x4096xf32>
    %jit3A_70 = arith.constant 3.000000e+38 : f32
    %broadcast_in_dim3A_71 = vector.broadcast %jit3A_70 : f32 to vector<256x4096xf32>
    %select_n3A_72 = arith.select %eq3A_69, %broadcast_in_dim3A_71, %select_n3A_54 : vector<256x4096xi1>, vector<256x4096xf32>
    %reduce_min3A_73 = arith.constant dense<0x7F800000> : vector<256xf32>
    %reduce_min3A_74 = vector.multi_reduction <minimumf>, %select_n3A_72, %reduce_min3A_73 [1] : vector<256x4096xf32> to vector<256xf32>
    %broadcast_in_dim3A_75 = vector.shape_cast %reduce_min3A_74 : vector<256xf32> to vector<256x1xf32>
    %bitcast_convert_type3A_76 = tpu.bitcast %broadcast_in_dim3A_75 : vector<256x1xf32> -> vector<256x1xi32>
    %and3A_77 = arith.constant 4095 : i32
    %and3A_78 = vector.broadcast %and3A_77 : i32 to vector<256x1xi32>
    %and3A_79 = arith.andi %bitcast_convert_type3A_76, %and3A_78 : vector<256x1xi32>
    %eq3A_80 = arith.constant 2 : i32
    %eq3A_81 = vector.broadcast %eq3A_80 : i32 to vector<256x16xi32>
    %eq3A_82 = arith.cmpi eq, %iota3A_35, %eq3A_81 : vector<256x16xi32>
    %broadcast_in_dim3A_83 = vector.shape_cast %and3A_79 : vector<256x1xi32> to vector<256x1xi32>
    %broadcast_in_dim3A_84 = vector.broadcast %broadcast_in_dim3A_83 : vector<256x1xi32> to vector<256x16xi32>
    %select_n3A_85 = arith.select %eq3A_82, %broadcast_in_dim3A_84, %select_n3A_67 : vector<256x16xi1>, vector<256x16xi32>
    %eq3A_86 = vector.broadcast %broadcast_in_dim3A_75 : vector<256x1xf32> to vector<256x4096xf32>
    %eq3A_87 = arith.cmpf oeq, %select_n3A_72, %eq3A_86 : vector<256x4096xf32>
    %jit3A_88 = arith.constant 3.000000e+38 : f32
    %broadcast_in_dim3A_89 = vector.broadcast %jit3A_88 : f32 to vector<256x4096xf32>
    %select_n3A_90 = arith.select %eq3A_87, %broadcast_in_dim3A_89, %select_n3A_72 : vector<256x4096xi1>, vector<256x4096xf32>
    %reduce_min3A_91 = arith.constant dense<0x7F800000> : vector<256xf32>
    %reduce_min3A_92 = vector.multi_reduction <minimumf>, %select_n3A_90, %reduce_min3A_91 [1] : vector<256x4096xf32> to vector<256xf32>
    %broadcast_in_dim3A_93 = vector.shape_cast %reduce_min3A_92 : vector<256xf32> to vector<256x1xf32>
    %bitcast_convert_type3A_94 = tpu.bitcast %broadcast_in_dim3A_93 : vector<256x1xf32> -> vector<256x1xi32>
    %and3A_95 = arith.constant 4095 : i32
    %and3A_96 = vector.broadcast %and3A_95 : i32 to vector<256x1xi32>
    %and3A_97 = arith.andi %bitcast_convert_type3A_94, %and3A_96 : vector<256x1xi32>
    %eq3A_98 = arith.constant 3 : i32
    %eq3A_99 = vector.broadcast %eq3A_98 : i32 to vector<256x16xi32>
    %eq3A_100 = arith.cmpi eq, %iota3A_35, %eq3A_99 : vector<256x16xi32>
    %broadcast_in_dim3A_101 = vector.shape_cast %and3A_97 : vector<256x1xi32> to vector<256x1xi32>
    %broadcast_in_dim3A_102 = vector.broadcast %broadcast_in_dim3A_101 : vector<256x1xi32> to vector<256x16xi32>
    %select_n3A_103 = arith.select %eq3A_100, %broadcast_in_dim3A_102, %select_n3A_85 : vector<256x16xi1>, vector<256x16xi32>
    %eq3A_104 = vector.broadcast %broadcast_in_dim3A_93 : vector<256x1xf32> to vector<256x4096xf32>
    %eq3A_105 = arith.cmpf oeq, %select_n3A_90, %eq3A_104 : vector<256x4096xf32>
    %jit3A_106 = arith.constant 3.000000e+38 : f32
    %broadcast_in_dim3A_107 = vector.broadcast %jit3A_106 : f32 to vector<256x4096xf32>
    %select_n3A_108 = arith.select %eq3A_105, %broadcast_in_dim3A_107, %select_n3A_90 : vector<256x4096xi1>, vector<256x4096xf32>
    %reduce_min3A_109 = arith.constant dense<0x7F800000> : vector<256xf32>
    %reduce_min3A_110 = vector.multi_reduction <minimumf>, %select_n3A_108, %reduce_min3A_109 [1] : vector<256x4096xf32> to vector<256xf32>
    %broadcast_in_dim3A_111 = vector.shape_cast %reduce_min3A_110 : vector<256xf32> to vector<256x1xf32>
    %bitcast_convert_type3A_112 = tpu.bitcast %broadcast_in_dim3A_111 : vector<256x1xf32> -> vector<256x1xi32>
    %and3A_113 = arith.constant 4095 : i32
    %and3A_114 = vector.broadcast %and3A_113 : i32 to vector<256x1xi32>
    %and3A_115 = arith.andi %bitcast_convert_type3A_112, %and3A_114 : vector<256x1xi32>
    %eq3A_116 = arith.constant 4 : i32
    %eq3A_117 = vector.broadcast %eq3A_116 : i32 to vector<256x16xi32>
    %eq3A_118 = arith.cmpi eq, %iota3A_35, %eq3A_117 : vector<256x16xi32>
    %broadcast_in_dim3A_119 = vector.shape_cast %and3A_115 : vector<256x1xi32> to vector<256x1xi32>
    %broadcast_in_dim3A_120 = vector.broadcast %broadcast_in_dim3A_119 : vector<256x1xi32> to vector<256x16xi32>
    %select_n3A_121 = arith.select %eq3A_118, %broadcast_in_dim3A_120, %select_n3A_103 : vector<256x16xi1>, vector<256x16xi32>
    %eq3A_122 = vector.broadcast %broadcast_in_dim3A_111 : vector<256x1xf32> to vector<256x4096xf32>
    %eq3A_123 = arith.cmpf oeq, %select_n3A_108, %eq3A_122 : vector<256x4096xf32>
    %jit3A_124 = arith.constant 3.000000e+38 : f32
    %broadcast_in_dim3A_125 = vector.broadcast %jit3A_124 : f32 to vector<256x4096xf32>
    %select_n3A_126 = arith.select %eq3A_123, %broadcast_in_dim3A_125, %select_n3A_108 : vector<256x4096xi1>, vector<256x4096xf32>
    %reduce_min3A_127 = arith.constant dense<0x7F800000> : vector<256xf32>
    %reduce_min3A_128 = vector.multi_reduction <minimumf>, %select_n3A_126, %reduce_min3A_127 [1] : vector<256x4096xf32> to vector<256xf32>
    %broadcast_in_dim3A_129 = vector.shape_cast %reduce_min3A_128 : vector<256xf32> to vector<256x1xf32>
    %bitcast_convert_type3A_130 = tpu.bitcast %broadcast_in_dim3A_129 : vector<256x1xf32> -> vector<256x1xi32>
    %and3A_131 = arith.constant 4095 : i32
    %and3A_132 = vector.broadcast %and3A_131 : i32 to vector<256x1xi32>
    %and3A_133 = arith.andi %bitcast_convert_type3A_130, %and3A_132 : vector<256x1xi32>
    %eq3A_134 = arith.constant 5 : i32
    %eq3A_135 = vector.broadcast %eq3A_134 : i32 to vector<256x16xi32>
    %eq3A_136 = arith.cmpi eq, %iota3A_35, %eq3A_135 : vector<256x16xi32>
    %broadcast_in_dim3A_137 = vector.shape_cast %and3A_133 : vector<256x1xi32> to vector<256x1xi32>
    %broadcast_in_dim3A_138 = vector.broadcast %broadcast_in_dim3A_137 : vector<256x1xi32> to vector<256x16xi32>
    %select_n3A_139 = arith.select %eq3A_136, %broadcast_in_dim3A_138, %select_n3A_121 : vector<256x16xi1>, vector<256x16xi32>
    %eq3A_140 = vector.broadcast %broadcast_in_dim3A_129 : vector<256x1xf32> to vector<256x4096xf32>
    %eq3A_141 = arith.cmpf oeq, %select_n3A_126, %eq3A_140 : vector<256x4096xf32>
    %jit3A_142 = arith.constant 3.000000e+38 : f32
    %broadcast_in_dim3A_143 = vector.broadcast %jit3A_142 : f32 to vector<256x4096xf32>
    %select_n3A_144 = arith.select %eq3A_141, %broadcast_in_dim3A_143, %select_n3A_126 : vector<256x4096xi1>, vector<256x4096xf32>
    %reduce_min3A_145 = arith.constant dense<0x7F800000> : vector<256xf32>
    %reduce_min3A_146 = vector.multi_reduction <minimumf>, %select_n3A_144, %reduce_min3A_145 [1] : vector<256x4096xf32> to vector<256xf32>
    %broadcast_in_dim3A_147 = vector.shape_cast %reduce_min3A_146 : vector<256xf32> to vector<256x1xf32>
    %bitcast_convert_type3A_148 = tpu.bitcast %broadcast_in_dim3A_147 : vector<256x1xf32> -> vector<256x1xi32>
    %and3A_149 = arith.constant 4095 : i32
    %and3A_150 = vector.broadcast %and3A_149 : i32 to vector<256x1xi32>
    %and3A_151 = arith.andi %bitcast_convert_type3A_148, %and3A_150 : vector<256x1xi32>
    %eq3A_152 = arith.constant 6 : i32
    %eq3A_153 = vector.broadcast %eq3A_152 : i32 to vector<256x16xi32>
    %eq3A_154 = arith.cmpi eq, %iota3A_35, %eq3A_153 : vector<256x16xi32>
    %broadcast_in_dim3A_155 = vector.shape_cast %and3A_151 : vector<256x1xi32> to vector<256x1xi32>
    %broadcast_in_dim3A_156 = vector.broadcast %broadcast_in_dim3A_155 : vector<256x1xi32> to vector<256x16xi32>
    %select_n3A_157 = arith.select %eq3A_154, %broadcast_in_dim3A_156, %select_n3A_139 : vector<256x16xi1>, vector<256x16xi32>
    %eq3A_158 = vector.broadcast %broadcast_in_dim3A_147 : vector<256x1xf32> to vector<256x4096xf32>
    %eq3A_159 = arith.cmpf oeq, %select_n3A_144, %eq3A_158 : vector<256x4096xf32>
    %jit3A_160 = arith.constant 3.000000e+38 : f32
    %broadcast_in_dim3A_161 = vector.broadcast %jit3A_160 : f32 to vector<256x4096xf32>
    %select_n3A_162 = arith.select %eq3A_159, %broadcast_in_dim3A_161, %select_n3A_144 : vector<256x4096xi1>, vector<256x4096xf32>
    %reduce_min3A_163 = arith.constant dense<0x7F800000> : vector<256xf32>
    %reduce_min3A_164 = vector.multi_reduction <minimumf>, %select_n3A_162, %reduce_min3A_163 [1] : vector<256x4096xf32> to vector<256xf32>
    %broadcast_in_dim3A_165 = vector.shape_cast %reduce_min3A_164 : vector<256xf32> to vector<256x1xf32>
    %bitcast_convert_type3A_166 = tpu.bitcast %broadcast_in_dim3A_165 : vector<256x1xf32> -> vector<256x1xi32>
    %and3A_167 = arith.constant 4095 : i32
    %and3A_168 = vector.broadcast %and3A_167 : i32 to vector<256x1xi32>
    %and3A_169 = arith.andi %bitcast_convert_type3A_166, %and3A_168 : vector<256x1xi32>
    %eq3A_170 = arith.constant 7 : i32
    %eq3A_171 = vector.broadcast %eq3A_170 : i32 to vector<256x16xi32>
    %eq3A_172 = arith.cmpi eq, %iota3A_35, %eq3A_171 : vector<256x16xi32>
    %broadcast_in_dim3A_173 = vector.shape_cast %and3A_169 : vector<256x1xi32> to vector<256x1xi32>
    %broadcast_in_dim3A_174 = vector.broadcast %broadcast_in_dim3A_173 : vector<256x1xi32> to vector<256x16xi32>
    %select_n3A_175 = arith.select %eq3A_172, %broadcast_in_dim3A_174, %select_n3A_157 : vector<256x16xi1>, vector<256x16xi32>
    %eq3A_176 = vector.broadcast %broadcast_in_dim3A_165 : vector<256x1xf32> to vector<256x4096xf32>
    %eq3A_177 = arith.cmpf oeq, %select_n3A_162, %eq3A_176 : vector<256x4096xf32>
    %jit3A_178 = arith.constant 3.000000e+38 : f32
    %broadcast_in_dim3A_179 = vector.broadcast %jit3A_178 : f32 to vector<256x4096xf32>
    %select_n3A_180 = arith.select %eq3A_177, %broadcast_in_dim3A_179, %select_n3A_162 : vector<256x4096xi1>, vector<256x4096xf32>
    %reduce_min3A_181 = arith.constant dense<0x7F800000> : vector<256xf32>
    %reduce_min3A_182 = vector.multi_reduction <minimumf>, %select_n3A_180, %reduce_min3A_181 [1] : vector<256x4096xf32> to vector<256xf32>
    %broadcast_in_dim3A_183 = vector.shape_cast %reduce_min3A_182 : vector<256xf32> to vector<256x1xf32>
    %bitcast_convert_type3A_184 = tpu.bitcast %broadcast_in_dim3A_183 : vector<256x1xf32> -> vector<256x1xi32>
    %and3A_185 = arith.constant 4095 : i32
    %and3A_186 = vector.broadcast %and3A_185 : i32 to vector<256x1xi32>
    %and3A_187 = arith.andi %bitcast_convert_type3A_184, %and3A_186 : vector<256x1xi32>
    %eq3A_188 = arith.constant 8 : i32
    %eq3A_189 = vector.broadcast %eq3A_188 : i32 to vector<256x16xi32>
    %eq3A_190 = arith.cmpi eq, %iota3A_35, %eq3A_189 : vector<256x16xi32>
    %broadcast_in_dim3A_191 = vector.shape_cast %and3A_187 : vector<256x1xi32> to vector<256x1xi32>
    %broadcast_in_dim3A_192 = vector.broadcast %broadcast_in_dim3A_191 : vector<256x1xi32> to vector<256x16xi32>
    %select_n3A_193 = arith.select %eq3A_190, %broadcast_in_dim3A_192, %select_n3A_175 : vector<256x16xi1>, vector<256x16xi32>
    %eq3A_194 = vector.broadcast %broadcast_in_dim3A_183 : vector<256x1xf32> to vector<256x4096xf32>
    %eq3A_195 = arith.cmpf oeq, %select_n3A_180, %eq3A_194 : vector<256x4096xf32>
    %jit3A_196 = arith.constant 3.000000e+38 : f32
    %broadcast_in_dim3A_197 = vector.broadcast %jit3A_196 : f32 to vector<256x4096xf32>
    %select_n3A_198 = arith.select %eq3A_195, %broadcast_in_dim3A_197, %select_n3A_180 : vector<256x4096xi1>, vector<256x4096xf32>
    %reduce_min3A_199 = arith.constant dense<0x7F800000> : vector<256xf32>
    %reduce_min3A_200 = vector.multi_reduction <minimumf>, %select_n3A_198, %reduce_min3A_199 [1] : vector<256x4096xf32> to vector<256xf32>
    %broadcast_in_dim3A_201 = vector.shape_cast %reduce_min3A_200 : vector<256xf32> to vector<256x1xf32>
    %bitcast_convert_type3A_202 = tpu.bitcast %broadcast_in_dim3A_201 : vector<256x1xf32> -> vector<256x1xi32>
    %and3A_203 = arith.constant 4095 : i32
    %and3A_204 = vector.broadcast %and3A_203 : i32 to vector<256x1xi32>
    %and3A_205 = arith.andi %bitcast_convert_type3A_202, %and3A_204 : vector<256x1xi32>
    %eq3A_206 = arith.constant 9 : i32
    %eq3A_207 = vector.broadcast %eq3A_206 : i32 to vector<256x16xi32>
    %eq3A_208 = arith.cmpi eq, %iota3A_35, %eq3A_207 : vector<256x16xi32>
    %broadcast_in_dim3A_209 = vector.shape_cast %and3A_205 : vector<256x1xi32> to vector<256x1xi32>
    %broadcast_in_dim3A_210 = vector.broadcast %broadcast_in_dim3A_209 : vector<256x1xi32> to vector<256x16xi32>
    %select_n3A_211 = arith.select %eq3A_208, %broadcast_in_dim3A_210, %select_n3A_193 : vector<256x16xi1>, vector<256x16xi32>
    %eq3A_212 = vector.broadcast %broadcast_in_dim3A_201 : vector<256x1xf32> to vector<256x4096xf32>
    %eq3A_213 = arith.cmpf oeq, %select_n3A_198, %eq3A_212 : vector<256x4096xf32>
    %jit3A_214 = arith.constant 3.000000e+38 : f32
    %broadcast_in_dim3A_215 = vector.broadcast %jit3A_214 : f32 to vector<256x4096xf32>
    %select_n3A_216 = arith.select %eq3A_213, %broadcast_in_dim3A_215, %select_n3A_198 : vector<256x4096xi1>, vector<256x4096xf32>
    %reduce_min3A_217 = arith.constant dense<0x7F800000> : vector<256xf32>
    %reduce_min3A_218 = vector.multi_reduction <minimumf>, %select_n3A_216, %reduce_min3A_217 [1] : vector<256x4096xf32> to vector<256xf32>
    %broadcast_in_dim3A_219 = vector.shape_cast %reduce_min3A_218 : vector<256xf32> to vector<256x1xf32>
    %bitcast_convert_type3A_220 = tpu.bitcast %broadcast_in_dim3A_219 : vector<256x1xf32> -> vector<256x1xi32>
    %and3A_221 = arith.constant 4095 : i32
    %and3A_222 = vector.broadcast %and3A_221 : i32 to vector<256x1xi32>
    %and3A_223 = arith.andi %bitcast_convert_type3A_220, %and3A_222 : vector<256x1xi32>
    %eq3A_224 = arith.constant 10 : i32
    %eq3A_225 = vector.broadcast %eq3A_224 : i32 to vector<256x16xi32>
    %eq3A_226 = arith.cmpi eq, %iota3A_35, %eq3A_225 : vector<256x16xi32>
    %broadcast_in_dim3A_227 = vector.shape_cast %and3A_223 : vector<256x1xi32> to vector<256x1xi32>
    %broadcast_in_dim3A_228 = vector.broadcast %broadcast_in_dim3A_227 : vector<256x1xi32> to vector<256x16xi32>
    %select_n3A_229 = arith.select %eq3A_226, %broadcast_in_dim3A_228, %select_n3A_211 : vector<256x16xi1>, vector<256x16xi32>
    %eq3A_230 = vector.broadcast %broadcast_in_dim3A_219 : vector<256x1xf32> to vector<256x4096xf32>
    %eq3A_231 = arith.cmpf oeq, %select_n3A_216, %eq3A_230 : vector<256x4096xf32>
    %jit3A_232 = arith.constant 3.000000e+38 : f32
    %broadcast_in_dim3A_233 = vector.broadcast %jit3A_232 : f32 to vector<256x4096xf32>
    %select_n3A_234 = arith.select %eq3A_231, %broadcast_in_dim3A_233, %select_n3A_216 : vector<256x4096xi1>, vector<256x4096xf32>
    %reduce_min3A_235 = arith.constant dense<0x7F800000> : vector<256xf32>
    %reduce_min3A_236 = vector.multi_reduction <minimumf>, %select_n3A_234, %reduce_min3A_235 [1] : vector<256x4096xf32> to vector<256xf32>
    %broadcast_in_dim3A_237 = vector.shape_cast %reduce_min3A_236 : vector<256xf32> to vector<256x1xf32>
    %bitcast_convert_type3A_238 = tpu.bitcast %broadcast_in_dim3A_237 : vector<256x1xf32> -> vector<256x1xi32>
    %and3A_239 = arith.constant 4095 : i32
    %and3A_240 = vector.broadcast %and3A_239 : i32 to vector<256x1xi32>
    %and3A_241 = arith.andi %bitcast_convert_type3A_238, %and3A_240 : vector<256x1xi32>
    %eq3A_242 = arith.constant 11 : i32
    %eq3A_243 = vector.broadcast %eq3A_242 : i32 to vector<256x16xi32>
    %eq3A_244 = arith.cmpi eq, %iota3A_35, %eq3A_243 : vector<256x16xi32>
    %broadcast_in_dim3A_245 = vector.shape_cast %and3A_241 : vector<256x1xi32> to vector<256x1xi32>
    %broadcast_in_dim3A_246 = vector.broadcast %broadcast_in_dim3A_245 : vector<256x1xi32> to vector<256x16xi32>
    %select_n3A_247 = arith.select %eq3A_244, %broadcast_in_dim3A_246, %select_n3A_229 : vector<256x16xi1>, vector<256x16xi32>
    %eq3A_248 = vector.broadcast %broadcast_in_dim3A_237 : vector<256x1xf32> to vector<256x4096xf32>
    %eq3A_249 = arith.cmpf oeq, %select_n3A_234, %eq3A_248 : vector<256x4096xf32>
    %jit3A_250 = arith.constant 3.000000e+38 : f32
    %broadcast_in_dim3A_251 = vector.broadcast %jit3A_250 : f32 to vector<256x4096xf32>
    %select_n3A_252 = arith.select %eq3A_249, %broadcast_in_dim3A_251, %select_n3A_234 : vector<256x4096xi1>, vector<256x4096xf32>
    %reduce_min3A_253 = arith.constant dense<0x7F800000> : vector<256xf32>
    %reduce_min3A_254 = vector.multi_reduction <minimumf>, %select_n3A_252, %reduce_min3A_253 [1] : vector<256x4096xf32> to vector<256xf32>
    %broadcast_in_dim3A_255 = vector.shape_cast %reduce_min3A_254 : vector<256xf32> to vector<256x1xf32>
    %bitcast_convert_type3A_256 = tpu.bitcast %broadcast_in_dim3A_255 : vector<256x1xf32> -> vector<256x1xi32>
    %and3A_257 = arith.constant 4095 : i32
    %and3A_258 = vector.broadcast %and3A_257 : i32 to vector<256x1xi32>
    %and3A_259 = arith.andi %bitcast_convert_type3A_256, %and3A_258 : vector<256x1xi32>
    %eq3A_260 = arith.constant 12 : i32
    %eq3A_261 = vector.broadcast %eq3A_260 : i32 to vector<256x16xi32>
    %eq3A_262 = arith.cmpi eq, %iota3A_35, %eq3A_261 : vector<256x16xi32>
    %broadcast_in_dim3A_263 = vector.shape_cast %and3A_259 : vector<256x1xi32> to vector<256x1xi32>
    %broadcast_in_dim3A_264 = vector.broadcast %broadcast_in_dim3A_263 : vector<256x1xi32> to vector<256x16xi32>
    %select_n3A_265 = arith.select %eq3A_262, %broadcast_in_dim3A_264, %select_n3A_247 : vector<256x16xi1>, vector<256x16xi32>
    %eq3A_266 = vector.broadcast %broadcast_in_dim3A_255 : vector<256x1xf32> to vector<256x4096xf32>
    %eq3A_267 = arith.cmpf oeq, %select_n3A_252, %eq3A_266 : vector<256x4096xf32>
    %jit3A_268 = arith.constant 3.000000e+38 : f32
    %broadcast_in_dim3A_269 = vector.broadcast %jit3A_268 : f32 to vector<256x4096xf32>
    %select_n3A_270 = arith.select %eq3A_267, %broadcast_in_dim3A_269, %select_n3A_252 : vector<256x4096xi1>, vector<256x4096xf32>
    %reduce_min3A_271 = arith.constant dense<0x7F800000> : vector<256xf32>
    %reduce_min3A_272 = vector.multi_reduction <minimumf>, %select_n3A_270, %reduce_min3A_271 [1] : vector<256x4096xf32> to vector<256xf32>
    %broadcast_in_dim3A_273 = vector.shape_cast %reduce_min3A_272 : vector<256xf32> to vector<256x1xf32>
    %bitcast_convert_type3A_274 = tpu.bitcast %broadcast_in_dim3A_273 : vector<256x1xf32> -> vector<256x1xi32>
    %and3A_275 = arith.constant 4095 : i32
    %and3A_276 = vector.broadcast %and3A_275 : i32 to vector<256x1xi32>
    %and3A_277 = arith.andi %bitcast_convert_type3A_274, %and3A_276 : vector<256x1xi32>
    %eq3A_278 = arith.constant 13 : i32
    %eq3A_279 = vector.broadcast %eq3A_278 : i32 to vector<256x16xi32>
    %eq3A_280 = arith.cmpi eq, %iota3A_35, %eq3A_279 : vector<256x16xi32>
    %broadcast_in_dim3A_281 = vector.shape_cast %and3A_277 : vector<256x1xi32> to vector<256x1xi32>
    %broadcast_in_dim3A_282 = vector.broadcast %broadcast_in_dim3A_281 : vector<256x1xi32> to vector<256x16xi32>
    %select_n3A_283 = arith.select %eq3A_280, %broadcast_in_dim3A_282, %select_n3A_265 : vector<256x16xi1>, vector<256x16xi32>
    %eq3A_284 = vector.broadcast %broadcast_in_dim3A_273 : vector<256x1xf32> to vector<256x4096xf32>
    %eq3A_285 = arith.cmpf oeq, %select_n3A_270, %eq3A_284 : vector<256x4096xf32>
    %jit3A_286 = arith.constant 3.000000e+38 : f32
    %broadcast_in_dim3A_287 = vector.broadcast %jit3A_286 : f32 to vector<256x4096xf32>
    %select_n3A_288 = arith.select %eq3A_285, %broadcast_in_dim3A_287, %select_n3A_270 : vector<256x4096xi1>, vector<256x4096xf32>
    %reduce_min3A_289 = arith.constant dense<0x7F800000> : vector<256xf32>
    %reduce_min3A_290 = vector.multi_reduction <minimumf>, %select_n3A_288, %reduce_min3A_289 [1] : vector<256x4096xf32> to vector<256xf32>
    %broadcast_in_dim3A_291 = vector.shape_cast %reduce_min3A_290 : vector<256xf32> to vector<256x1xf32>
    %bitcast_convert_type3A_292 = tpu.bitcast %broadcast_in_dim3A_291 : vector<256x1xf32> -> vector<256x1xi32>
    %and3A_293 = arith.constant 4095 : i32
    %and3A_294 = vector.broadcast %and3A_293 : i32 to vector<256x1xi32>
    %and3A_295 = arith.andi %bitcast_convert_type3A_292, %and3A_294 : vector<256x1xi32>
    %eq3A_296 = arith.constant 14 : i32
    %eq3A_297 = vector.broadcast %eq3A_296 : i32 to vector<256x16xi32>
    %eq3A_298 = arith.cmpi eq, %iota3A_35, %eq3A_297 : vector<256x16xi32>
    %broadcast_in_dim3A_299 = vector.shape_cast %and3A_295 : vector<256x1xi32> to vector<256x1xi32>
    %broadcast_in_dim3A_300 = vector.broadcast %broadcast_in_dim3A_299 : vector<256x1xi32> to vector<256x16xi32>
    %select_n3A_301 = arith.select %eq3A_298, %broadcast_in_dim3A_300, %select_n3A_283 : vector<256x16xi1>, vector<256x16xi32>
    %eq3A_302 = vector.broadcast %broadcast_in_dim3A_291 : vector<256x1xf32> to vector<256x4096xf32>
    %eq3A_303 = arith.cmpf oeq, %select_n3A_288, %eq3A_302 : vector<256x4096xf32>
    %jit3A_304 = arith.constant 3.000000e+38 : f32
    %broadcast_in_dim3A_305 = vector.broadcast %jit3A_304 : f32 to vector<256x4096xf32>
    %select_n3A_306 = arith.select %eq3A_303, %broadcast_in_dim3A_305, %select_n3A_288 : vector<256x4096xi1>, vector<256x4096xf32>
    %reduce_min3A_307 = arith.constant dense<0x7F800000> : vector<256xf32>
    %reduce_min3A_308 = vector.multi_reduction <minimumf>, %select_n3A_306, %reduce_min3A_307 [1] : vector<256x4096xf32> to vector<256xf32>
    %broadcast_in_dim3A_309 = vector.shape_cast %reduce_min3A_308 : vector<256xf32> to vector<256x1xf32>
    %bitcast_convert_type3A_310 = tpu.bitcast %broadcast_in_dim3A_309 : vector<256x1xf32> -> vector<256x1xi32>
    %and3A_311 = arith.constant 4095 : i32
    %and3A_312 = vector.broadcast %and3A_311 : i32 to vector<256x1xi32>
    %and3A_313 = arith.andi %bitcast_convert_type3A_310, %and3A_312 : vector<256x1xi32>
    %eq3A_314 = arith.constant 15 : i32
    %eq3A_315 = vector.broadcast %eq3A_314 : i32 to vector<256x16xi32>
    %eq3A_316 = arith.cmpi eq, %iota3A_35, %eq3A_315 : vector<256x16xi32>
    %broadcast_in_dim3A_317 = vector.shape_cast %and3A_313 : vector<256x1xi32> to vector<256x1xi32>
    %broadcast_in_dim3A_318 = vector.broadcast %broadcast_in_dim3A_317 : vector<256x1xi32> to vector<256x16xi32>
    %select_n3A_319 = arith.select %eq3A_316, %broadcast_in_dim3A_318, %select_n3A_301 : vector<256x16xi1>, vector<256x16xi32>
    %mul3A_320 = arith.constant 4096 : i32
    %mul3A_321 = arith.muli %arg0, %mul3A_320 : i32
    %add3A_322 = vector.broadcast %mul3A_321 : i32 to vector<256x16xi32>
    %add3A_323 = arith.addi %select_n3A_319, %add3A_322 : vector<256x16xi32>
    %swap3A = arith.constant 0 : index
    %swap3A_324 = arith.constant 0 : index
    %swap3A_325 = arith.constant 0 : index
    %swap3A_326 = vector.load %arg9[%swap3A, %swap3A_324, %swap3A_325] : memref<1x256x16xi32, #tpu.memory_space<vmem>>, vector<1x256x16xi32>
    %swap3A_327 = vector.shape_cast %swap3A_326 : vector<1x256x16xi32> to vector<256x16xi32>
    %swap3A_328 = vector.shape_cast %add3A_323 : vector<256x16xi32> to vector<1x256x16xi32>
    tpu.vector_store %arg9[%swap3A, %swap3A_324, %swap3A_325], %swap3A_328 {strides = array<i32>} : memref<1x256x16xi32, #tpu.memory_space<vmem>>, vector<1x256x16xi32>,
    %get3A_329 = arith.constant 0 : index
    %get3A_330 = arith.constant 0 : index
    %get3A_331 = arith.constant 0 : index
    %get3A_332 = vector.load %arg4[%get3A_329, %get3A_330, %get3A_331] : memref<1x256x128xf32, #tpu.memory_space<vmem>>, vector<1x256x128xf32>
    %get3A_333 = vector.shape_cast %get3A_332 : vector<1x256x128xf32> to vector<256x128xf32>
    %get3A_334 = arith.constant 0 : index
    %get3A_335 = arith.constant 0 : index
    %get3A_336 = vector.load %arg5[%get3A_334, %get3A_335] : memref<128x128xf32, #tpu.memory_space<vmem>>, vector<128x128xf32>
    %dot_general3A_337 = arith.constant dense<0.000000e+00> : vector<256x128xf32>
    %dot_general3A_338 = tpu.matmul %get3A_333, %get3A_336, %dot_general3A_337 {dimension_numbers = #tpu.dot_dimension_numbers<[1], [0], [0], [1], [0, 0, 1, 1], [], []>, transpose_lhs_hint = false} : vector<256x128xf32>, vector<128x128xf32>, vector<256x128xf32> -> vector<256x128xf32>
    %get3A_339 = arith.constant 0 : index
    %get3A_340 = arith.constant 0 : index
    %get3A_341 = vector.load %arg6[%get3A_339, %get3A_340] : memref<1x128xf32, #tpu.memory_space<vmem>>, vector<1x128xf32>
    %add3A_342 = vector.broadcast %get3A_341 : vector<1x128xf32> to vector<256x128xf32>
    %add3A_343 = arith.addf %dot_general3A_338, %add3A_342 : vector<256x128xf32>
    %get3A_344 = arith.constant 0 : index
    %get3A_345 = arith.constant 0 : index
    %get3A_346 = vector.load %arg7[%get3A_344, %get3A_345] : memref<16x128xf32, #tpu.memory_space<vmem>>, vector<16x128xf32>
    %dot_general3A_347 = arith.constant dense<0.000000e+00> : vector<256x128xf32>
    %dot_general3A_348 = tpu.matmul %get3A_8, %get3A_346, %dot_general3A_347 {dimension_numbers = #tpu.dot_dimension_numbers<[1], [0], [0], [1], [0, 0, 1, 1], [], []>, transpose_lhs_hint = false} : vector<256x16xf32>, vector<16x128xf32>, vector<256x128xf32> -> vector<256x128xf32>
    %concatenate3A = tpu.concatenate %add3A_343, %dot_general3A_348 in 1 : vector<256x128xf32>, vector<256x128xf32> -> vector<256x256xf32>
    %swap3A_349 = arith.constant 0 : index
    %swap3A_350 = arith.constant 0 : index
    %swap3A_351 = arith.constant 0 : index
    %swap3A_352 = vector.load %arg8[%swap3A_349, %swap3A_350, %swap3A_351] : memref<1x256x256xf32, #tpu.memory_space<vmem>>, vector<1x256x256xf32>
    %swap3A_353 = vector.shape_cast %swap3A_352 : vector<1x256x256xf32> to vector<256x256xf32>
    %swap3A_354 = vector.shape_cast %concatenate3A : vector<256x256xf32> to vector<1x256x256xf32>
    tpu.vector_store %arg8[%swap3A_349, %swap3A_350, %swap3A_351], %swap3A_354 {strides = array<i32>} : memref<1x256x256xf32, #tpu.memory_space<vmem>>, vector<1x256x256xf32>,
    return
  }
  func.func @transform_0(%arg0: i32, %arg1: i32) -> (i32, i32, i32) {
    %c0_i32 = arith.constant 0 : i32
    %c0_i32_0 = arith.constant 0 : i32
    %c0_i32_1 = arith.constant 0 : i32
    return %arg0, %c0_i32, %c0_i32_0 : i32, i32, i32
  }
  func.func @transform_1(%arg0: i32, %arg1: i32) -> (i32, i32, i32) {
    %c0_i32 = arith.constant 0 : i32
    %c0_i32_0 = arith.constant 0 : i32
    return %arg0, %arg1, %c0_i32 : i32, i32, i32
  }
  func.func @transform_2(%arg0: i32, %arg1: i32) -> (i32, i32, i32) {
    %c0_i32 = arith.constant 0 : i32
    %c0_i32_0 = arith.constant 0 : i32
    return %arg0, %arg1, %c0_i32 : i32, i32, i32
  }
  func.func @transform_3(%arg0: i32, %arg1: i32) -> (i32, i32) {
    %c0_i32 = arith.constant 0 : i32
    %c0_i32_0 = arith.constant 0 : i32
    %c0_i32_1 = arith.constant 0 : i32
    return %c0_i32, %c0_i32_0 : i32, i32
  }
  func.func @transform_4(%arg0: i32, %arg1: i32) -> (i32, i32) {
    %c0_i32 = arith.constant 0 : i32
    %c0_i32_0 = arith.constant 0 : i32
    %c0_i32_1 = arith.constant 0 : i32
    return %c0_i32, %c0_i32_0 : i32, i32
  }
  func.func @transform_5(%arg0: i32, %arg1: i32) -> (i32, i32) {
    %c0_i32 = arith.constant 0 : i32
    %c0_i32_0 = arith.constant 0 : i32
    %c0_i32_1 = arith.constant 0 : i32
    return %c0_i32, %c0_i32_0 : i32, i32
  }
  func.func @transform_6(%arg0: i32, %arg1: i32) -> (i32, i32, i32) {
    %c0_i32 = arith.constant 0 : i32
    %c0_i32_0 = arith.constant 0 : i32
    return %arg0, %arg1, %c0_i32 : i32, i32, i32
  }
  func.func @transform_7(%arg0: i32, %arg1: i32) -> (i32, i32, i32) {
    %c0_i32 = arith.constant 0 : i32
    %c0_i32_0 = arith.constant 0 : i32
    return %arg0, %arg1, %c0_i32 : i32, i32, i32
  }
}

module attributes {stable_mosaic.version = 14 : i64} {
  func.func @_attn_body(%arg0: i32, %arg1: memref<256x256xf32, #tpu.memory_space<vmem>>, %arg2: memref<256x128xf32, #tpu.memory_space<vmem>>, %arg3: memref<4096x256xf32, #tpu.memory_space<vmem>>, %arg4: memref<1x128xf32, #tpu.memory_space<vmem>>, %arg5: memref<128x128xf32, #tpu.memory_space<vmem>>, %arg6: memref<1x128xf32, #tpu.memory_space<vmem>>, %arg7: memref<128x128xf32, #tpu.memory_space<vmem>>, %arg8: memref<128x128xf32, #tpu.memory_space<vmem>>, %arg9: memref<128x128xf32, #tpu.memory_space<vmem>>, %arg10: memref<1x128xf32, #tpu.memory_space<vmem>>, %arg11: memref<128x128xf32, #tpu.memory_space<vmem>>, %arg12: memref<1x128xf32, #tpu.memory_space<vmem>>, %arg13: memref<128x128xf32, #tpu.memory_space<vmem>>, %arg14: memref<1x128xf32, #tpu.memory_space<vmem>>, %arg15: memref<256x128xf32, #tpu.memory_space<vmem>>) attributes {dimension_semantics = [#tpu.dimension_semantics<arbitrary>], iteration_bounds = array<i64: 16>, scalar_prefetch = 0 : i64, scratch_operands = 0 : i64, tpu.core_type = #tpu.core_type<tc>, window_params = [{transform_indices = @transform_0, window_bounds = array<i64: 256, 256>}, {transform_indices = @transform_1, window_bounds = array<i64: 256, 128>}, {transform_indices = @transform_2, window_bounds = array<i64: 4096, 256>}, {pipeline_mode = #tpu.pipeline_mode<synchronous>, transform_indices = @transform_3, window_bounds = array<i64: 1, 128>}, {pipeline_mode = #tpu.pipeline_mode<synchronous>, transform_indices = @transform_4, window_bounds = array<i64: 128, 128>}, {pipeline_mode = #tpu.pipeline_mode<synchronous>, transform_indices = @transform_5, window_bounds = array<i64: 1, 128>}, {pipeline_mode = #tpu.pipeline_mode<synchronous>, transform_indices = @transform_6, window_bounds = array<i64: 128, 128>}, {pipeline_mode = #tpu.pipeline_mode<synchronous>, transform_indices = @transform_7, window_bounds = array<i64: 128, 128>}, {pipeline_mode = #tpu.pipeline_mode<synchronous>, transform_indices = @transform_8, window_bounds = array<i64: 128, 128>}, {pipeline_mode = #tpu.pipeline_mode<synchronous>, transform_indices = @transform_9, window_bounds = array<i64: 1, 128>}, {pipeline_mode = #tpu.pipeline_mode<synchronous>, transform_indices = @transform_10, window_bounds = array<i64: 128, 128>}, {pipeline_mode = #tpu.pipeline_mode<synchronous>, transform_indices = @transform_11, window_bounds = array<i64: 1, 128>}, {pipeline_mode = #tpu.pipeline_mode<synchronous>, transform_indices = @transform_12, window_bounds = array<i64: 128, 128>}, {pipeline_mode = #tpu.pipeline_mode<synchronous>, transform_indices = @transform_13, window_bounds = array<i64: 1, 128>}, {transform_indices = @transform_14, window_bounds = array<i64: 256, 128>}]} {
    %get3A = arith.constant 0 : index
    %get3A_0 = arith.constant 0 : index
    %get3A_1 = vector.load %arg3[%get3A, %get3A_0] : memref<4096x256xf32, #tpu.memory_space<vmem>>, vector<4096x128xf32>
    %get3A_2 = arith.constant 0 : index
    %get3A_3 = arith.constant 128 : index
    %get3A_4 = vector.load %arg3[%get3A_2, %get3A_3] : memref<4096x256xf32, #tpu.memory_space<vmem>>, vector<4096x128xf32>
    %get3A_5 = arith.constant 0 : index
    %get3A_6 = arith.constant 128 : index
    %get3A_7 = vector.load %arg1[%get3A_5, %get3A_6] : memref<256x256xf32, #tpu.memory_space<vmem>>, vector<256x128xf32>
    %broadcast_in_dim3A = vector.shape_cast %get3A_7 : vector<256x128xf32> to vector<256x1x128xf32>
    %reshape3A = vector.shape_cast %get3A_4 : vector<4096x128xf32> to vector<256x16x128xf32>
    %sub3A = vector.broadcast %broadcast_in_dim3A : vector<256x1x128xf32> to vector<256x16x128xf32>
    %sub3A_8 = arith.subf %sub3A, %reshape3A : vector<256x16x128xf32>
    %reshape3A_9 = vector.shape_cast %sub3A_8 : vector<256x16x128xf32> to vector<4096x128xf32>
    %get3A_10 = arith.constant 0 : index
    %get3A_11 = arith.constant 0 : index
    %get3A_12 = vector.load %arg4[%get3A_10, %get3A_11] : memref<1x128xf32, #tpu.memory_space<vmem>>, vector<1x128xf32>
    %add3A = vector.broadcast %get3A_12 : vector<1x128xf32> to vector<4096x128xf32>
    %add3A_13 = arith.addf %reshape3A_9, %add3A : vector<4096x128xf32>
    %get3A_14 = arith.constant 0 : index
    %get3A_15 = arith.constant 0 : index
    %get3A_16 = vector.load %arg5[%get3A_14, %get3A_15] : memref<128x128xf32, #tpu.memory_space<vmem>>, vector<128x128xf32>
    %dot_general3A = arith.constant dense<0.000000e+00> : vector<4096x128xf32>
    %dot_general3A_17 = tpu.matmul %add3A_13, %get3A_16, %dot_general3A {dimension_numbers = #tpu.dot_dimension_numbers<[1], [0], [0], [1], [0, 0, 1, 1], [], []>, transpose_lhs_hint = false} : vector<4096x128xf32>, vector<128x128xf32>, vector<4096x128xf32> -> vector<4096x128xf32>
    %get3A_18 = arith.constant 0 : index
    %get3A_19 = arith.constant 0 : index
    %get3A_20 = vector.load %arg6[%get3A_18, %get3A_19] : memref<1x128xf32, #tpu.memory_space<vmem>>, vector<1x128xf32>
    %add3A_21 = vector.broadcast %get3A_20 : vector<1x128xf32> to vector<4096x128xf32>
    %add3A_22 = arith.addf %dot_general3A_17, %add3A_21 : vector<4096x128xf32>
    %max3A = arith.constant 0.000000e+00 : f32
    %max3A_23 = vector.broadcast %max3A : f32 to vector<4096x128xf32>
    %max3A_24 = arith.maximumf %add3A_22, %max3A_23 : vector<4096x128xf32>
    %get3A_25 = arith.constant 0 : index
    %get3A_26 = arith.constant 0 : index
    %get3A_27 = vector.load %arg7[%get3A_25, %get3A_26] : memref<128x128xf32, #tpu.memory_space<vmem>>, vector<128x128xf32>
    %dot_general3A_28 = arith.constant dense<0.000000e+00> : vector<4096x128xf32>
    %dot_general3A_29 = tpu.matmul %max3A_24, %get3A_27, %dot_general3A_28 {dimension_numbers = #tpu.dot_dimension_numbers<[1], [0], [0], [1], [0, 0, 1, 1], [], []>, transpose_lhs_hint = false} : vector<4096x128xf32>, vector<128x128xf32>, vector<4096x128xf32> -> vector<4096x128xf32>
    %get3A_30 = arith.constant 0 : index
    %get3A_31 = arith.constant 0 : index
    %get3A_32 = vector.load %arg8[%get3A_30, %get3A_31] : memref<128x128xf32, #tpu.memory_space<vmem>>, vector<128x128xf32>
    %dot_general3A_33 = arith.constant dense<0.000000e+00> : vector<4096x128xf32>
    %dot_general3A_34 = tpu.matmul %get3A_1, %get3A_32, %dot_general3A_33 {dimension_numbers = #tpu.dot_dimension_numbers<[1], [0], [0], [1], [0, 0, 1, 1], [], []>, transpose_lhs_hint = false} : vector<4096x128xf32>, vector<128x128xf32>, vector<4096x128xf32> -> vector<4096x128xf32>
    %get3A_35 = arith.constant 0 : index
    %get3A_36 = arith.constant 0 : index
    %get3A_37 = vector.load %arg1[%get3A_35, %get3A_36] : memref<256x256xf32, #tpu.memory_space<vmem>>, vector<256x128xf32>
    %get3A_38 = arith.constant 0 : index
    %get3A_39 = arith.constant 0 : index
    %get3A_40 = vector.load %arg9[%get3A_38, %get3A_39] : memref<128x128xf32, #tpu.memory_space<vmem>>, vector<128x128xf32>
    %dot_general3A_41 = arith.constant dense<0.000000e+00> : vector<256x128xf32>
    %dot_general3A_42 = tpu.matmul %get3A_37, %get3A_40, %dot_general3A_41 {dimension_numbers = #tpu.dot_dimension_numbers<[1], [0], [0], [1], [0, 0, 1, 1], [], []>, transpose_lhs_hint = false} : vector<256x128xf32>, vector<128x128xf32>, vector<256x128xf32> -> vector<256x128xf32>
    %broadcast_in_dim3A_43 = vector.shape_cast %dot_general3A_42 : vector<256x128xf32> to vector<256x1x128xf32>
    %reshape3A_44 = vector.shape_cast %dot_general3A_34 : vector<4096x128xf32> to vector<256x16x128xf32>
    %sub3A_45 = vector.broadcast %broadcast_in_dim3A_43 : vector<256x1x128xf32> to vector<256x16x128xf32>
    %sub3A_46 = arith.subf %sub3A_45, %reshape3A_44 : vector<256x16x128xf32>
    %reshape3A_47 = vector.shape_cast %dot_general3A_29 : vector<4096x128xf32> to vector<256x16x128xf32>
    %add3A_48 = arith.addf %sub3A_46, %reshape3A_47 : vector<256x16x128xf32>
    %get3A_49 = arith.constant 0 : index
    %get3A_50 = arith.constant 0 : index
    %get3A_51 = vector.load %arg10[%get3A_49, %get3A_50] : memref<1x128xf32, #tpu.memory_space<vmem>>, vector<1x128xf32>
    %broadcast_in_dim3A_52 = vector.shape_cast %get3A_51 : vector<1x128xf32> to vector<1x1x128xf32>
    %add3A_53 = vector.broadcast %broadcast_in_dim3A_52 : vector<1x1x128xf32> to vector<256x16x128xf32>
    %add3A_54 = arith.addf %add3A_48, %add3A_53 : vector<256x16x128xf32>
    %reduce_max3A = arith.constant dense<0xFF800000> : vector<256x16xf32>
    %reduce_max3A_55 = vector.multi_reduction <maximumf>, %add3A_54, %reduce_max3A [2] : vector<256x16x128xf32> to vector<256x16xf32>
    %broadcast_in_dim3A_56 = vector.shape_cast %reduce_max3A_55 : vector<256x16xf32> to vector<256x16x1xf32>
    %sub3A_57 = vector.broadcast %broadcast_in_dim3A_56 : vector<256x16x1xf32> to vector<256x16x128xf32>
    %sub3A_58 = arith.subf %add3A_54, %sub3A_57 : vector<256x16x128xf32>
    %exp3A = math.exp %sub3A_58 : vector<256x16x128xf32>
    %reduce_sum3A = arith.constant dense<0.000000e+00> : vector<256x16xf32>
    %reduce_sum3A_59 = vector.multi_reduction <add>, %exp3A, %reduce_sum3A [2] : vector<256x16x128xf32> to vector<256x16xf32>
    %broadcast_in_dim3A_60 = vector.shape_cast %reduce_sum3A_59 : vector<256x16xf32> to vector<256x16x1xf32>
    %div3A = vector.broadcast %broadcast_in_dim3A_60 : vector<256x16x1xf32> to vector<256x16x128xf32>
    %div3A_61 = arith.divf %exp3A, %div3A : vector<256x16x128xf32>
    %get3A_62 = arith.constant 0 : index
    %get3A_63 = arith.constant 0 : index
    %get3A_64 = vector.load %arg11[%get3A_62, %get3A_63] : memref<128x128xf32, #tpu.memory_space<vmem>>, vector<128x128xf32>
    %dot_general3A_65 = arith.constant dense<0.000000e+00> : vector<4096x128xf32>
    %dot_general3A_66 = tpu.matmul %get3A_1, %get3A_64, %dot_general3A_65 {dimension_numbers = #tpu.dot_dimension_numbers<[1], [0], [0], [1], [0, 0, 1, 1], [], []>, transpose_lhs_hint = false} : vector<4096x128xf32>, vector<128x128xf32>, vector<4096x128xf32> -> vector<4096x128xf32>
    %get3A_67 = arith.constant 0 : index
    %get3A_68 = arith.constant 0 : index
    %get3A_69 = vector.load %arg12[%get3A_67, %get3A_68] : memref<1x128xf32, #tpu.memory_space<vmem>>, vector<1x128xf32>
    %add3A_70 = vector.broadcast %get3A_69 : vector<1x128xf32> to vector<4096x128xf32>
    %add3A_71 = arith.addf %dot_general3A_66, %add3A_70 : vector<4096x128xf32>
    %add3A_72 = arith.addf %add3A_71, %max3A_24 : vector<4096x128xf32>
    %reshape3A_73 = vector.shape_cast %add3A_72 : vector<4096x128xf32> to vector<256x16x128xf32>
    %mul3A = arith.mulf %div3A_61, %reshape3A_73 : vector<256x16x128xf32>
    %reduce_sum3A_74 = arith.constant dense<0.000000e+00> : vector<256x128xf32>
    %reduce_sum3A_75 = vector.multi_reduction <add>, %mul3A, %reduce_sum3A_74 [1] : vector<256x16x128xf32> to vector<256x128xf32>
    %get3A_76 = arith.constant 0 : index
    %get3A_77 = arith.constant 0 : index
    %get3A_78 = vector.load %arg13[%get3A_76, %get3A_77] : memref<128x128xf32, #tpu.memory_space<vmem>>, vector<128x128xf32>
    %dot_general3A_79 = arith.constant dense<0.000000e+00> : vector<256x128xf32>
    %dot_general3A_80 = tpu.matmul %reduce_sum3A_75, %get3A_78, %dot_general3A_79 {dimension_numbers = #tpu.dot_dimension_numbers<[1], [0], [0], [1], [0, 0, 1, 1], [], []>, transpose_lhs_hint = false} : vector<256x128xf32>, vector<128x128xf32>, vector<256x128xf32> -> vector<256x128xf32>
    %get3A_81 = arith.constant 0 : index
    %get3A_82 = arith.constant 0 : index
    %get3A_83 = vector.load %arg14[%get3A_81, %get3A_82] : memref<1x128xf32, #tpu.memory_space<vmem>>, vector<1x128xf32>
    %add3A_84 = vector.broadcast %get3A_83 : vector<1x128xf32> to vector<256x128xf32>
    %add3A_85 = arith.addf %dot_general3A_80, %add3A_84 : vector<256x128xf32>
    %get3A_86 = arith.constant 0 : index
    %get3A_87 = arith.constant 0 : index
    %get3A_88 = vector.load %arg2[%get3A_86, %get3A_87] : memref<256x128xf32, #tpu.memory_space<vmem>>, vector<256x128xf32>
    %add3A_89 = arith.addf %add3A_85, %get3A_88 : vector<256x128xf32>
    %swap3A = arith.constant 0 : index
    %swap3A_90 = arith.constant 0 : index
    %swap3A_91 = vector.load %arg15[%swap3A, %swap3A_90] : memref<256x128xf32, #tpu.memory_space<vmem>>, vector<256x128xf32>
    tpu.vector_store %arg15[%swap3A, %swap3A_90], %add3A_89 {strides = array<i32>} : memref<256x128xf32, #tpu.memory_space<vmem>>, vector<256x128xf32>,
    return
  }
  func.func @transform_0(%arg0: i32) -> (i32, i32) {
    %c0_i32 = arith.constant 0 : i32
    %c0_i32_0 = arith.constant 0 : i32
    return %arg0, %c0_i32 : i32, i32
  }
  func.func @transform_1(%arg0: i32) -> (i32, i32) {
    %c0_i32 = arith.constant 0 : i32
    %c0_i32_0 = arith.constant 0 : i32
    return %arg0, %c0_i32 : i32, i32
  }
  func.func @transform_2(%arg0: i32) -> (i32, i32) {
    %c0_i32 = arith.constant 0 : i32
    %c0_i32_0 = arith.constant 0 : i32
    return %arg0, %c0_i32 : i32, i32
  }
  func.func @transform_3(%arg0: i32) -> (i32, i32) {
    %c0_i32 = arith.constant 0 : i32
    %c0_i32_0 = arith.constant 0 : i32
    %c0_i32_1 = arith.constant 0 : i32
    return %c0_i32, %c0_i32_0 : i32, i32
  }
  func.func @transform_4(%arg0: i32) -> (i32, i32) {
    %c0_i32 = arith.constant 0 : i32
    %c0_i32_0 = arith.constant 0 : i32
    %c0_i32_1 = arith.constant 0 : i32
    return %c0_i32, %c0_i32_0 : i32, i32
  }
  func.func @transform_5(%arg0: i32) -> (i32, i32) {
    %c0_i32 = arith.constant 0 : i32
    %c0_i32_0 = arith.constant 0 : i32
    %c0_i32_1 = arith.constant 0 : i32
    return %c0_i32, %c0_i32_0 : i32, i32
  }
  func.func @transform_6(%arg0: i32) -> (i32, i32) {
    %c0_i32 = arith.constant 0 : i32
    %c0_i32_0 = arith.constant 0 : i32
    %c0_i32_1 = arith.constant 0 : i32
    return %c0_i32, %c0_i32_0 : i32, i32
  }
  func.func @transform_7(%arg0: i32) -> (i32, i32) {
    %c0_i32 = arith.constant 0 : i32
    %c0_i32_0 = arith.constant 0 : i32
    %c0_i32_1 = arith.constant 0 : i32
    return %c0_i32, %c0_i32_0 : i32, i32
  }
  func.func @transform_8(%arg0: i32) -> (i32, i32) {
    %c0_i32 = arith.constant 0 : i32
    %c0_i32_0 = arith.constant 0 : i32
    %c0_i32_1 = arith.constant 0 : i32
    return %c0_i32, %c0_i32_0 : i32, i32
  }
  func.func @transform_9(%arg0: i32) -> (i32, i32) {
    %c0_i32 = arith.constant 0 : i32
    %c0_i32_0 = arith.constant 0 : i32
    %c0_i32_1 = arith.constant 0 : i32
    return %c0_i32, %c0_i32_0 : i32, i32
  }
  func.func @transform_10(%arg0: i32) -> (i32, i32) {
    %c0_i32 = arith.constant 0 : i32
    %c0_i32_0 = arith.constant 0 : i32
    %c0_i32_1 = arith.constant 0 : i32
    return %c0_i32, %c0_i32_0 : i32, i32
  }
  func.func @transform_11(%arg0: i32) -> (i32, i32) {
    %c0_i32 = arith.constant 0 : i32
    %c0_i32_0 = arith.constant 0 : i32
    %c0_i32_1 = arith.constant 0 : i32
    return %c0_i32, %c0_i32_0 : i32, i32
  }
  func.func @transform_12(%arg0: i32) -> (i32, i32) {
    %c0_i32 = arith.constant 0 : i32
    %c0_i32_0 = arith.constant 0 : i32
    %c0_i32_1 = arith.constant 0 : i32
    return %c0_i32, %c0_i32_0 : i32, i32
  }
  func.func @transform_13(%arg0: i32) -> (i32, i32) {
    %c0_i32 = arith.constant 0 : i32
    %c0_i32_0 = arith.constant 0 : i32
    %c0_i32_1 = arith.constant 0 : i32
    return %c0_i32, %c0_i32_0 : i32, i32
  }
  func.func @transform_14(%arg0: i32) -> (i32, i32) {
    %c0_i32 = arith.constant 0 : i32
    %c0_i32_0 = arith.constant 0 : i32
    return %arg0, %c0_i32 : i32, i32
  }
}

</mosaic_0001>

<sc_bundles>
// kernel: kernel.11.cloned.1.call-start
scs
__scs_entry_jumppad:
0x0: {  	(pc) =	sbr.rel $0x88, $3  }
0x1: {  	(tag) =	ssettag $0x0;
	lr =	simm.s32 $0x1  }
0x2: {  	[smem:$0x3F8F] =	sst lr;
	_ =	strace $0xD0000000  }
0x3: {  	_ = 	snop  }
0x4: {  	_ = 	snop  }
0x5: {  	_ = 	snop  }
0x6: {  	_ = 	snop  }
0x7: {  	_ = 	snop  }
__scs_overlays_trampoline_lowered:
0x8: {  	[smem:$0x3F9E] =	sst s0  }
0x9: {  	[smem:$0x3F9F] =	sst s1  }
0xa: {  	[smem:$0x3FA0] =	sst s2  }
0xb: {  	[smem:$0x3FA1] =	sst s3  }
0xc: {  	[smem:$0x3FA2] =	sst s4  }
0xd: {  	[smem:$0x3FA3] =	sst s5  }
0xe: {  	[smem:$0x3FA4] =	sst s6  }
0xf: {  	[smem:$0x3FA5] =	sst s7  }
0x10: {  	[smem:$0x3FA6] =	sst s8  }
0x11: {  	[smem:$0x3FA7] =	sst s9;
	s0 =	simm.s32 @!p0 $0x0  }
0x12: {  	s1 =	sld [smem:$0x3F8D];
	s0 =	simm.s32 @p0 $0x1  }
0x13: {  	[smem:$0x3FA8] =	sst s0;
	s0 =	simm.s32 @!p1 $0x0  }
0x14: {  	s2 =	sld [smem:$0x3F8C];
	s0 =	simm.s32 @p1 $0x1  }
0x15: {  	[smem:$0x3FA9] =	sst s0;
	s0 =	simm.s32 @!p2 $0x0  }
0x16: {  	s3 =	sld [smem:$0x3FDB];
	s0 =	simm.s32 @p2 $0x1  }
0x17: {  	s4 =	simm.s32 $0x1BF5;
	[smem:$0x3FAB] =	sst s0  }
0x18: {  	s0 =	sld [smem:$0x3F8E];
	_ =	swait.ge [sflag:s4], $0x0  }
0x19: {  	s7 =	sld [smem:$0x3F8F]  }
0x1a: {  	s8 =	sadd.s32 $0xFFFFE003, lr  }
0x1b: {  	s9 =	sadd.s32 $0xFFFFFEF7, lr;
	s5 =	simm.s32 $0xFFFFFFFF;
	p2 =	slt.u32 s8, $0xFFFFF086  }
0x1c: {  	p1 =	slt.u32 s9, $0xF7A;
	s5 =	simm.s32 @!p2 $0x0  }
0x1d: {  	s5 =	simm.s32 @p1 $0x1;
	p0 =	seq.s32 s7, s2  }
0x1e: {  	s7 =	smul.u32 @!p0 $0xF7A, s2;
	p2 =	seq.s32 @!p0 s5, $0x0  }
0x1f: {  	s9 =	smul.u32 $0xF7A, s1;
	s8 =	simm.s32 @!p0 $0x1BF5;
	p2 =	por !p2, p0  }
0x20: {  	[sflag:s8] =	ssyncset.s32 @!p0 $0xFFFFF086;
	s6 =	sadd.s32 @!p0 s3, s7;
	s7 =	simm.s32 @!p0 $0x108  }
0x21: {  	s3 =	sadd.s32 s3, s9;
	s6 =	sadd.s32 @!p0 $0x88, s6;
	s7 =	simm.s32 @p2 $0x1082  }
0x22: {  	[simem:s7], [sflag:s8] =	dma.local @!p0 [hbm:s6], $0xF7A  }
0x23: {  	s9 =	sor.u32 $0xD0000000, s2;
	s6 =	simm.s32 $0x108;
	_ =	swait.ge @!p0 [sflag:s8], $0x0  }
0x24: {  	s3 =	sadd.s32 $0x88, s3;
	s6 =	simm.s32 @!p1 $0x1082;
	[sflag:s4] =	ssyncset.s32 $0xFFFFF086  }
0x25: {  	[simem:s6], [sflag:s4] =	dma.local [hbm:s3], $0xF7A  }
0x26: {  	[smem:$0x3F8F] =	sst s1;
	(tag) =	ssettag s2;
	_ =	strace s9  }
0x27: {  	s1 =	sld [smem:$0x3F9F]  }
0x28: {  	s2 =	sld [smem:$0x3FA0]  }
0x29: {  	s4 =	sld [smem:$0x3FA2]  }
0x2a: {  	p0 =	seq.s32 s5, $0x0;
	s5 =	sld [smem:$0x3FA3]  }
0x2b: {  	s6 =	sld [smem:$0x3FA4]  }
0x2c: {  	s7 =	sld [smem:$0x3FA5]  }
0x2d: {  	s3 =	simm.s32 $0x108;
	s8 =	sld [smem:$0x3FA6]  }
0x2e: {  	s3 =	simm.s32 @!p0 $0x1082;
	s9 =	sld [smem:$0x3FA7]  }
0x2f: {  	lr =	sadd.s32 s0, s3;
	s0 =	sld [smem:$0x3F9E]  }
0x30: {  	s3 =	sld [smem:$0x3FA1]  }
0x31: {  	[smem:$0x3FAA] =	sst s10  }
0x32: {  	s10 =	sld [smem:$0x3FA8];
	_ =	sdelay $0x3  }
0x33: {  	p0 =	seq.s32 s10, $0x1;
	s10 =	sld [smem:$0x3FAA];
	_ =	sdelay $0x3  }
0x34: {  	[smem:$0x3FAA] =	sst s10  }
0x35: {  	s10 =	sld [smem:$0x3FA9];
	_ =	sdelay $0x3  }
0x36: {  	p1 =	seq.s32 s10, $0x1;
	s10 =	sld [smem:$0x3FAA];
	_ =	sdelay $0x3  }
0x37: {  	[smem:$0x3FAA] =	sst s10  }
0x38: {  	s10 =	sld [smem:$0x3FAB]  }
0x39: {  	_ = 	snop;
	(pc) =	sbr.ind lr, $3  }
0x3a: {  	_ = 	snop  }
0x3b: {  	_ = 	snop  }
0x3c: {  	p2 =	seq.s32 s10, $0x1;
	s10 =	sld [smem:$0x3FAA]  }
0x3d: {  	_ =	shalt  }
0x3e: {  	_ =	shalt  }
0x3f: {  	_ =	shalt  }
0x40: {  	_ =	shalt  }
0x41: {  	_ =	shalt  }
0x42: {  	_ =	shalt  }
0x43: {  	_ =	shalt  }
0x44: {  	_ =	shalt  }
0x45: {  	_ =	shalt  }
0x46: {  	_ =	shalt  }
0x47: {  	_ =	shalt  }
0x48: {  	_ =	shalt  }
0x49: {  	_ =	shalt  }
0x4a: {  	_ =	shalt  }
0x4b: {  	_ =	shalt  }
0x4c: {  	_ =	shalt  }
0x4d: {  	_ =	shalt  }
0x4e: {  	_ =	shalt  }
0x4f: {  	_ =	shalt  }
0x50: {  	_ =	shalt  }
0x51: {  	_ =	shalt  }
0x52: {  	_ =	shalt  }
0x53: {  	_ =	shalt  }
0x54: {  	_ =	shalt  }
0x55: {  	_ =	shalt  }
0x56: {  	_ =	shalt  }
0x57: {  	_ =	shalt  }
0x58: {  	_ =	shalt  }
0x59: {  	_ =	shalt  }
0x5a: {  	_ =	shalt  }
0x5b: {  	_ =	shalt  }
0x5c: {  	_ =	shalt  }
0x5d: {  	_ =	shalt  }
0x5e: {  	_ =	shalt  }
0x5f: {  	_ =	shalt  }
0x60: {  	_ =	shalt  }
0x61: {  	_ =	shalt  }
0x62: {  	_ =	shalt  }
0x63: {  	_ =	shalt  }
0x64: {  	_ =	shalt  }
0x65: {  	_ =	shalt  }
0x66: {  	_ =	shalt  }
0x67: {  	_ =	shalt  }
0x68: {  	_ =	shalt  }
0x69: {  	_ =	shalt  }
0x6a: {  	_ =	shalt  }
0x6b: {  	_ =	shalt  }
0x6c: {  	_ =	shalt  }
0x6d: {  	_ =	shalt  }
0x6e: {  	_ =	shalt  }
0x6f: {  	_ =	shalt  }
0x70: {  	_ =	shalt  }
0x71: {  	_ =	shalt  }
0x72: {  	_ =	shalt  }
0x73: {  	_ =	shalt  }
0x74: {  	_ =	shalt  }
0x75: {  	_ =	shalt  }
0x76: {  	_ =	shalt  }
0x77: {  	_ =	shalt  }
0x78: {  	_ =	shalt  }
0x79: {  	_ =	shalt  }
0x7a: {  	_ =	shalt  }
0x7b: {  	_ =	shalt  }
0x7c: {  	_ =	shalt  }
0x7d: {  	_ =	shalt  }
0x7e: {  	_ =	shalt  }
0x7f: {  	_ =	shalt  }
0x80: {  	_ =	shalt  }
0x81: {  	_ =	shalt  }
0x82: {  	_ =	shalt  }
0x83: {  	_ =	shalt  }
0x84: {  	_ =	shalt  }
0x85: {  	_ =	shalt  }
0x86: {  	_ =	shalt  }
0x87: {  	_ =	shalt  }
.Lfunc_end0:
.L_simem_size_0:
called_computation.1_lowered:
.L_overlay_start_0:
0x88: {  	s2 =	sld [smem:$0x3FD9]  }
0x89: {  	s3 =	sld [smem:$0x3FFE];
	_ =	sdelay $0x1  }
0x8a: {  	s1 =	srdreg.scid  }
0x8b: {  	s0 =	sand.u32 $0x1, s1  }
0x8c: {  	s15 =	sshll.u32 s0, $0xA;
	s2 =	sadd.s32 s3, s2  }
0x8d: {  	s2 =	sadd.s32 s2, s15  }
0x8e: {  	[smem:$0x3FB6] =	sst s2  }
0x8f: {  	_ = 	snop  }
0x90: {  	s2 =	sld [smem:$0x3FD0];
	_ =	sdelay $0x2  }
0x91: {  	s16 =	simm.s32 $0xB;
	s4 =	simm.s32 $0x10  }
0x92: {  	[smem:s4], [sflag:s16] =	dma.local [hbm:s2], $0x1  }
0x93: {  	_ =	swait.eq [sflag:s16], $0x1  }
0x94: {  	[sflag:s16] =	ssyncset.done $0x0  }
0x95: {  	[sflag:s16] =	ssyncadd.s32 $0xFFFFFFFF  }
0x96: {  	s17 =	sld [smem:$0x11];
	(tm) =	ssettm $0x1  }
0x97: {  	s18 =	sld [smem:$0x3FFB];
	_ =	sdelay $0x3  }
0x98: {  	_ =	strace s18  }
0x99: {  	s2 =	sld [smem:$0x3FFC];
	_ =	sdelay $0x3  }
0x9a: {  	_ =	strace s2  }
0x9b: {  	s2 =	sld [smem:$0x3FFD];
	_ =	sdelay $0x3  }
0x9c: {  	_ =	strace s2  }
0x9d: {  	_ =	strace $0x8FFFFFFF  }
0x9e: {  	s19 =	sld [smem:$0x3FDB];
	_ =	sdelay $0x1  }
0x9f: {  	s20 =	simm.s32 $_scs_section_size  }
0xa0: {  	s5 =	simm.s32 $_size__tile_overlayer_lowered;
	s6 =	simm.s32 $_tile_overlayer_lowered  }
0xa1: {  	s7 =	simm.s32 $0x1BFF;
	s21 =	sshll.u32 s6, $0x1;
	s4 =	sadd.s32 s20, s19  }
0xa2: {  	s22 =	simm.s32 $0x0;
	s5 =	sshll.u32 s5, $0x1;
	s6 =	sadd.s32 s21, s4  }
0xa3: {  	[timem:s22], [sflag:s7] =	dma.local [hbm:s6], s5  }
0xa4: {  	_ =	swait.ge [sflag:s7], s5  }
0xa5: {  	s5 =	ssub.s32 $0x0, s5;
	[sflag:s7] =	ssyncset.done $0x0  }
0xa6: {  	[sflag:s7] =	ssyncadd.s32 s5;
	_ =	sdelay $0x1  }
0xa7: {  	s23 =	simm.s32 $0x1B8B  }
0xa8: {  	_ =	swait.ge [sflag:s23], $0x1  }
0xa9: {  	[sflag:s23] =	ssyncset.done $0x0  }
0xaa: {  	[sflag:s23] =	ssyncadd.s32 $0xFFFFFFFF  }
0xab: {  	s5 =	sld [smem:$0x0]  }
0xac: {  	s6 =	sand.u32 $0xFFFFFFFE, s1  }
0xad: {  	p0 =	sne.s32 s1, s6  }
0xae: {  	s6 =	sshll.u32 @p0 s6, $0xE  }
0xaf: {  	s6 =	sadd.s32 @p0 $0x11B8D, s6;
	s7 =	sshll.u32 @p0 s5, $0x11  }
0xb0: {  	s6 =	sor.u32 @p0 s7, s6  }
0xb1: {  	[sflag:s6] =	ssyncadd.remote.s32 @p0 $0x1;
	_ =	sdelay $0x1  }
0xb2: {  	s6 =	simm.s32 @p0 $0x1B8D  }
0xb3: {  	_ =	swait.eq @p0 [sflag:s6], $0x1  }
0xb4: {  	[sflag:s6] =	ssyncadd.s32 @p0 $0xFFFFFFFF  }
0xb5: {  	s7 =	sshll.u32 @!p0 s1, $0xE  }
0xb6: {  	s7 =	sor.u32 @!p0 $0x4000, s7;
	s6 =	simm.s32 @!p0 $0x1B8D  }
0xb7: {  	s5 =	sshll.u32 @!p0 s5, $0x11;
	s7 =	sadd.s32 @!p0 $0x11B8D, s7;
	_ =	swait.eq @!p0 [sflag:s6], $0x1  }
0xb8: {  	s5 =	sor.u32 @!p0 s5, s7;
	[sflag:s6] =	ssyncadd.s32 @!p0 $0xFFFFFFFF  }
0xb9: {  	s25 =	simm.s32 $0x1B8E;
	s24 =	sld [smem:$0x3FFE];
	[sflag:s5] =	ssyncadd.remote.s32 @!p0 $0x1  }
0xba: {  	s26 =	simm.s32 $execute0_lowered;
	[smem:$0x3FD2] =	sst s25  }
0xbb: {  	s6 =	sshll.u32 s26, $0x1;
	_ =	strace $0x80000049;
	[dreg:$0x1] =	wrdreg $0xFFFFFFFF  }
0xbc: {  	s28 =	simm.s32 $_size_execute0_lowered;
	s4 =	sadd.s32 s4, s6;
	[dreg:$0x0] =	wrdreg $0x0  }
0xbd: {  	s6 =	sshll.u32 s28, $0x1;
	[dreg:$0x2] =	wrdreg s4  }
0xbe: {  	[dreg:$0x3] =	wrdreg s6  }
0xbf: {  	[dreg:$0x4] =	wrdreg $0xC0  }
0xc0: {  	_ =	task [dreg:s22], $0x5FFFF  }
0xc1: {  	[dreg:$0x1] =	wrdreg $0xFFFFFFFF  }
0xc2: {  	[dreg:$0x0] =	wrdreg $0x60  }
0xc3: {  	[dreg:$0x2] =	wrdreg s24  }
0xc4: {  	[dreg:$0x3] =	wrdreg s17  }
0xc5: {  	[dreg:$0x4] =	wrdreg $0xA  }
0xc6: {  	_ =	task.clear_ibuf [dreg:s22], $0x5FFFF;
	_ =	strace $0x90000049  }
0xc7: {  	s29 =	simm.s32 $0xA;
	_ =	strace $0x8000004B  }
0xc8: {  	_ =	swait.ge [sflag:s29], $0x1  }
0xc9: {  	[sflag:s29] =	ssyncadd.s32 $0xFFFFFFFF  }
0xca: {  	_ =	strace $0x9000004B  }
0xcb: {  	_ =	sfence  }
0xcc: {  	s30 =	sld [smem:$0x0];
	_ =	sdelay $0x2  }
0xcd: {  	s31 =	sshll.u32 s1, $0xD;
	s1 =	sshrl.u32 s1, $0x2  }
0xce: {  	s4 =	sand.u32 $0x4000, s31;
	s1 =	sadd.s32 s1, s30  }
0xcf: {  	s0 =	sor.u32 s4, s0;
	s1 =	sshll.u32 s1, $0x11  }
0xd0: {  	s0 =	sor.u32 s1, s0  }
0xd1: {  	s0 =	sadd.s32 $0x8F2B, s0  }
0xd2: {  	[sflag:s0] =	ssyncadd.remote.s32 $0x1  }
0xd3: {  	_ =	sfence.sel $0xFFFF  }
0xd4: {  	[dreg:$0x0] =	wrdreg $0xFFFFFFFF;
	(pc) =	sbr.abs _section_cstart, $3  }
0xd5: {  	[dreg:$0x1] =	wrdreg $0xFFFFFFFF  }
0xd6: {  	_ =	task.clear_ibuf [dreg:s22], $0x2FFFF;
	_ =	strace $0x9FFFFFFF  }
0xd7: {  	(tm) =	ssettm $0x7FFFFFFF  }
tec
execute0_lowered:
.L_overlay_start_1:
0x0: {  	(tag) =	ssettag $0x1  }
0x1: {  	s0 =	rddreg [dreg:$0x0]  }
0x2: {  	s2 =	rddreg [dreg:$0x1];
	s1 =	srdreg.scid  }
0x3: {  	s3 =	simm.s32 $0x0;
	s6 =	stileid.u32;
	s8 =	simm.s32 $0x800  }
0x4: {  	s20 =	simm.s32 $0x6800;
	s21 =	simm.s32 $0x7000;
	s22 =	simm.s32 $0x7800  }
0x5: {  	s28 =	simm.s32 $0xA000;
	s29 =	simm.s32 $0xA800;
	s30 =	simm.s32 $0xB000  }
0x6: {  	s31 =	simm.s32 $0xB800;
	s9 =	simm.s32 $0xE000;
	s10 =	simm.s32 $0xE800  }
0x7: {  	s11 =	simm.s32 $0xF000;
	s12 =	simm.s32 $0xF800;
	s13 =	simm.s32 $0x10000  }
0x8: {  	s14 =	simm.s32 $0x1;
	s15 =	simm.s32 $0x2;
	s17 =	simm.s32 $0x0  }
0x9: {  	s1 =	sand.u32 $0x1, s1;
	[smem:$0x7FF] =	sst s3;
	s4 =	sshll.u32 s6, $0xC  }
0xa: {  	s23 =	sshll.u32 s6, $0x11;
	s5 =	sshll.u32 s1, $0xB;
	_ =	strace $0x8000004A  }
0xb: {  	s24 =	ssub.s32 $0x2, s1;
	s1 =	sshll.u32 s1, $0x10;
	s4 =	sor.u32 s5, s4  }
0xc: {  	s5 =	sadd.s32 s23, s0;
	s7 =	sshrl.u32 s24, $0x1;
	s23 =	simm.s32 $0x8000  }
0xd: {  	s4 =	sshrl.u32 s4, $0x3;
	s25 =	ssub.s32 s24, s7;
	s1 =	sadd.s32 s1, s5  }
.Ltmp0:
0xe: {  	s7 =	simm.s32 $0x3;
	s24 =	simm.s32 $0x8800;
	(pc) =	sbr.rel .LBB2_1-.Ltmp0, $4  }
0xf: {  	s5 =	simm.s32 $0xD800;
	s0 =	sadd.s32 s4, s0;
	s26 =	smax.u32 s25, $0x1  }
0x10: {  	v2 =	vlaneseq.u32;
	s6 =	sadd.s32 $0x248000, s1;
	s25 =	simm.s32 $0x9000;
	s1 =	simm.s32 $0xC800  }
0x11: {  	vm0 =	vmmov $0xffff;
	v1 =	vshrl.u32 v2, $0x3;
	s4 =	simm.s32 $0xD000;
	s0 =	sadd.s32 $0x246000, s0;
	[dreg:$0x4] =	wrdreg s26  }
0x12: {  	v0 =	vand.u32 $0x7, v2;
	v2 =	vor.u32 $0x8, v2;
	v1 =	vmul.u32 $0x8, v1;
	s26 =	simm.s32 $0x9800;
	[dreg:$0x3] =	wrdreg s0;
	s0 =	simm.s32 $0xC000  }
.LBB2_5:
0x13: {  	s17 =	rddreg [dreg:$0x5]  }
0x14: {  	s16 =	rddreg [dreg:$0x4];
	s17 =	sadd.s32 $0x1, s17  }
0x15: {  	p0 =	sne.s32 s17, s16  }
.Ltmp1:
0x16: {  	_ = 	snop;
	(pc) =	sbr.rel @!p0 .LBB2_6-.Ltmp1, $1  }
0x17: {  	_ =	sdelay $0x3  }
.LBB2_1:
0x18: {  	[dreg:$0x5] =	wrdreg s17  }
0x19: {  	s16 =	rddreg [dreg:$0x3]  }
0x1a: {  	[tilespmem:s3], [sflag:$0x3] =	stream.linear.gather [hbm4b:s16+s3], $0x800, $0x38;
	[tilespmem:$0x10800] =	vst v63  }
0x1b: {  	_ =	swait.ge [sflag:s7], $0x800  }
0x1c: {  	[sflag:s7] =	ssyncset.done $0x0  }
0x1d: {  	[sflag:s7] =	ssyncadd.s32 $0xFFFFF800  }
0x1e: {  	v3 =	vld [tilespmem:$0x0];
	_ =	sdelay $0x4  }
0x1f: {  	v4 =	vshll.u32 v3, $0x1  }
0x20: {  	v3 =	vand.u32 $0x7, v3;
	v4 =	vand.u32 $0xFFFFFFF0, v4  }
0x21: {  	v3 =	vor.u32 v3, v4  }
0x22: {  	v4 =	vperm.xlane v3, v0;
	_ =	sdelay $0x1  }
0x23: {  	v3 =	vperm.xlane v3, v2;
	v4 =	vadd.s32 v1, v4;
	_ =	sdelay $0x1  }
0x24: {  	v3 =	vadd.s32 v1, v3;
	_ =	sdelay $0x2  }
0x25: {  	[tilespmem:s8], [sflag:$0x1] =	stream.indirect_vreg.gather [hbm4b:s2+s3], $0x80, v4, vm0, $0xb8;
	[tilespmem:$0x10800] =	vst v63  }
0x26: {  	s18 =	simm.s32 $0x1000  }
0x27: {  	[tilespmem:s18], [sflag:$0x1] =	stream.indirect_vreg.gather [hbm4b:s2+s3], $0x80, v3, vm0, $0xb8;
	[tilespmem:$0x10800] =	vst v63  }
0x28: {  	v3 =	vld [tilespmem:$0x10];
	_ =	sdelay $0x4  }
0x29: {  	v57 =	vshll.u32 v3, $0x1  }
0x2a: {  	v3 =	vand.u32 $0x7, v3;
	v4 =	vand.u32 $0xFFFFFFF0, v57  }
0x2b: {  	v3 =	vor.u32 v3, v4  }
0x2c: {  	v4 =	vperm.xlane v3, v0;
	_ =	sdelay $0x1  }
0x2d: {  	v3 =	vperm.xlane v3, v2;
	v4 =	vadd.s32 v1, v4;
	_ =	sdelay $0x1  }
0x2e: {  	v3 =	vadd.s32 v1, v3;
	_ =	sdelay $0x1  }
0x2f: {  	s19 =	simm.s32 $0x1800  }
0x30: {  	[tilespmem:s19], [sflag:$0x1] =	stream.indirect_vreg.gather [hbm4b:s2+s3], $0x80, v4, vm0, $0xb8;
	[tilespmem:$0x10800] =	vst v63  }
0x31: {  	s17 =	simm.s32 $0x2000  }
0x32: {  	[tilespmem:s17], [sflag:$0x1] =	stream.indirect_vreg.gather [hbm4b:s2+s3], $0x80, v3, vm0, $0xb8;
	[tilespmem:$0x10800] =	vst v63  }
0x33: {  	v3 =	vld [tilespmem:$0x20];
	_ =	sdelay $0x4  }
0x34: {  	v58 =	vshll.u32 v3, $0x1  }
0x35: {  	v3 =	vand.u32 $0x7, v3;
	v4 =	vand.u32 $0xFFFFFFF0, v58  }
0x36: {  	v3 =	vor.u32 v3, v4  }
0x37: {  	v4 =	vperm.xlane v3, v0;
	_ =	sdelay $0x1  }
0x38: {  	v3 =	vperm.xlane v3, v2;
	v4 =	vadd.s32 v1, v4;
	_ =	sdelay $0x1  }
0x39: {  	v3 =	vadd.s32 v1, v3;
	_ =	sdelay $0x1  }
0x3a: {  	s18 =	simm.s32 $0x2800  }
0x3b: {  	[tilespmem:s18], [sflag:$0x1] =	stream.indirect_vreg.gather [hbm4b:s2+s3], $0x80, v4, vm0, $0xb8;
	[tilespmem:$0x10800] =	vst v63  }
0x3c: {  	s19 =	simm.s32 $0x3000  }
0x3d: {  	[tilespmem:s19], [sflag:$0x1] =	stream.indirect_vreg.gather [hbm4b:s2+s3], $0x80, v3, vm0, $0xb8;
	[tilespmem:$0x10800] =	vst v63  }
0x3e: {  	v3 =	vld [tilespmem:$0x30];
	_ =	sdelay $0x4  }
0x3f: {  	v59 =	vshll.u32 v3, $0x1  }
0x40: {  	v3 =	vand.u32 $0x7, v3;
	v4 =	vand.u32 $0xFFFFFFF0, v59  }
0x41: {  	v3 =	vor.u32 v3, v4  }
0x42: {  	v4 =	vperm.xlane v3, v0;
	_ =	sdelay $0x1  }
0x43: {  	v3 =	vperm.xlane v3, v2;
	v4 =	vadd.s32 v1, v4;
	_ =	sdelay $0x1  }
0x44: {  	v3 =	vadd.s32 v1, v3;
	_ =	sdelay $0x1  }
0x45: {  	s17 =	simm.s32 $0x3800  }
0x46: {  	[tilespmem:s17], [sflag:$0x1] =	stream.indirect_vreg.gather [hbm4b:s2+s3], $0x80, v4, vm0, $0xb8;
	[tilespmem:$0x10800] =	vst v63  }
0x47: {  	s18 =	simm.s32 $0x4000  }
0x48: {  	[tilespmem:s18], [sflag:$0x1] =	stream.indirect_vreg.gather [hbm4b:s2+s3], $0x80, v3, vm0, $0xb8;
	[tilespmem:$0x10800] =	vst v63  }
0x49: {  	v3 =	vld [tilespmem:$0x40];
	_ =	sdelay $0x4  }
0x4a: {  	v60 =	vshll.u32 v3, $0x1  }
0x4b: {  	v3 =	vand.u32 $0x7, v3;
	v4 =	vand.u32 $0xFFFFFFF0, v60  }
0x4c: {  	v3 =	vor.u32 v3, v4  }
0x4d: {  	v4 =	vperm.xlane v3, v0;
	_ =	sdelay $0x1  }
0x4e: {  	v3 =	vperm.xlane v3, v2;
	v4 =	vadd.s32 v1, v4;
	_ =	sdelay $0x1  }
0x4f: {  	v3 =	vadd.s32 v1, v3;
	_ =	sdelay $0x1  }
0x50: {  	s19 =	simm.s32 $0x4800  }
0x51: {  	[tilespmem:s19], [sflag:$0x1] =	stream.indirect_vreg.gather [hbm4b:s2+s3], $0x80, v4, vm0, $0xb8;
	[tilespmem:$0x10800] =	vst v63  }
0x52: {  	s17 =	simm.s32 $0x5000  }
0x53: {  	[tilespmem:s17], [sflag:$0x1] =	stream.indirect_vreg.gather [hbm4b:s2+s3], $0x80, v3, vm0, $0xb8;
	[tilespmem:$0x10800] =	vst v63  }
0x54: {  	v3 =	vld [tilespmem:$0x50];
	_ =	sdelay $0x4  }
0x55: {  	v61 =	vshll.u32 v3, $0x1  }
0x56: {  	v3 =	vand.u32 $0x7, v3;
	v4 =	vand.u32 $0xFFFFFFF0, v61  }
0x57: {  	v3 =	vor.u32 v3, v4  }
0x58: {  	v4 =	vperm.xlane v3, v0;
	_ =	sdelay $0x1  }
0x59: {  	v3 =	vperm.xlane v3, v2;
	v4 =	vadd.s32 v1, v4;
	_ =	sdelay $0x1  }
0x5a: {  	v3 =	vadd.s32 v1, v3;
	_ =	sdelay $0x1  }
0x5b: {  	s18 =	simm.s32 $0x5800  }
0x5c: {  	[tilespmem:s18], [sflag:$0x1] =	stream.indirect_vreg.gather [hbm4b:s2+s3], $0x80, v4, vm0, $0xb8;
	[tilespmem:$0x10800] =	vst v63  }
0x5d: {  	s19 =	simm.s32 $0x6000  }
0x5e: {  	[tilespmem:s19], [sflag:$0x1] =	stream.indirect_vreg.gather [hbm4b:s2+s3], $0x80, v3, vm0, $0xb8;
	[tilespmem:$0x10800] =	vst v63  }
0x5f: {  	v3 =	vld [tilespmem:$0x60];
	_ =	sdelay $0x4  }
0x60: {  	v62 =	vshll.u32 v3, $0x1  }
0x61: {  	v3 =	vand.u32 $0x7, v3;
	v4 =	vand.u32 $0xFFFFFFF0, v62  }
0x62: {  	v3 =	vor.u32 v3, v4  }
0x63: {  	v4 =	vperm.xlane v3, v0;
	_ =	sdelay $0x1  }
0x64: {  	v3 =	vperm.xlane v3, v2;
	v4 =	vadd.s32 v1, v4;
	_ =	sdelay $0x1  }
0x65: {  	v3 =	vadd.s32 v1, v3;
	_ =	sdelay $0x2  }
0x66: {  	[tilespmem:s20], [sflag:$0x1] =	stream.indirect_vreg.gather [hbm4b:s2+s3], $0x80, v4, vm0, $0xb8;
	[tilespmem:$0x10800] =	vst v63  }
0x67: {  	_ = 	snop  }
0x68: {  	[tilespmem:s21], [sflag:$0x1] =	stream.indirect_vreg.gather [hbm4b:s2+s3], $0x80, v3, vm0, $0xb8;
	[tilespmem:$0x10800] =	vst v63  }
0x69: {  	v3 =	vld [tilespmem:$0x70];
	_ =	sdelay $0x4  }
0x6a: {  	v63 =	vshll.u32 v3, $0x1  }
0x6b: {  	v3 =	vand.u32 $0x7, v3;
	v4 =	vand.u32 $0xFFFFFFF0, v63  }
0x6c: {  	v3 =	vor.u32 v3, v4  }
0x6d: {  	v4 =	vperm.xlane v3, v0;
	_ =	sdelay $0x1  }
0x6e: {  	v3 =	vperm.xlane v3, v2;
	v4 =	vadd.s32 v1, v4;
	_ =	sdelay $0x1  }
0x6f: {  	v3 =	vadd.s32 v1, v3  }
.Ltmp2:
0x70: {  	_ = 	snop;
	(pc) =	sbr.rel .LBB2_2-.Ltmp2, $4  }
0x71: {  	_ = 	snop  }
0x72: {  	[tilespmem:s22], [sflag:$0x1] =	stream.indirect_vreg.gather [hbm4b:s2+s3], $0x80, v4, vm0, $0xb8;
	[tilespmem:$0x10800] =	vst v63  }
0x73: {  	s16 =	simm.s32 $0xC0;
	s17 =	simm.s32 $0x0  }
0x74: {  	[tilespmem:s23], [sflag:$0x1] =	stream.indirect_vreg.gather [hbm4b:s2+s3], $0x80, v3, vm0, $0xb8;
	[tilespmem:$0x10800] =	vst v63  }
.LBB2_4:
0x75: {  	_ =	swait.ge [sflag:s15], $0x8000;
	s17 =	sadd.s32 $0x2000, s17  }
0x76: {  	[sflag:s15] =	ssyncset.done $0x0;
	p0 =	sne.s32 s17, $0x10000  }
.Ltmp3:
0x77: {  	s18 =	sadd.s32 $0x1000, s18;
	[sflag:s15] =	ssyncadd.s32 $0xFFFF8000;
	(pc) =	sbr.rel @!p0 .LBB2_5-.Ltmp3, $4  }
0x78: {  	[hbm4b:s18+s3] =	stream.linear.scatter [tilespmem:s24], [sflag:$0x3], $0x8000, $0x38;
	[tilespmem:$0x10800] =	vst v63  }
0x79: {  	_ =	swait.ge [sflag:s7], $0x8000  }
0x7a: {  	[sflag:s7] =	ssyncset.done $0x0  }
0x7b: {  	s16 =	sadd.s32 $0x100, s16;
	[sflag:s7] =	ssyncadd.s32 $0xFFFF8000  }
.LBB2_2:
0x7c: {  	v3 =	vld [tilespmem:s16+$0xFFFFFFC0];
	_ =	sdelay $0x4  }
0x7d: {  	v4 =	vshll.u32 v3, $0x1  }
0x7e: {  	v3 =	vand.u32 $0x7, v3;
	v4 =	vand.u32 $0xFFFFFFF0, v4  }
0x7f: {  	v3 =	vor.u32 v3, v4  }
0x80: {  	v4 =	vperm.xlane v3, v0;
	_ =	sdelay $0x1  }
0x81: {  	v3 =	vperm.xlane v3, v2;
	v4 =	vadd.s32 v1, v4;
	_ =	sdelay $0x1  }
0x82: {  	v3 =	vadd.s32 v1, v3;
	_ =	sdelay $0x2  }
0x83: {  	[tilespmem:s24], [sflag:$0x2] =	stream.indirect_vreg.gather [hbm4b:s2+s3], $0x80, v4, vm0, $0xb8;
	[tilespmem:$0x10800] =	vst v63  }
0x84: {  	_ = 	snop  }
0x85: {  	[tilespmem:s25], [sflag:$0x2] =	stream.indirect_vreg.gather [hbm4b:s2+s3], $0x80, v3, vm0, $0xb8;
	[tilespmem:$0x10800] =	vst v63  }
0x86: {  	v3 =	vld [tilespmem:s16+$0xFFFFFFD0];
	_ =	sdelay $0x4  }
0x87: {  	v57 =	vshll.u32 v3, $0x1  }
0x88: {  	v3 =	vand.u32 $0x7, v3;
	v4 =	vand.u32 $0xFFFFFFF0, v57  }
0x89: {  	v3 =	vor.u32 v3, v4  }
0x8a: {  	v4 =	vperm.xlane v3, v0;
	_ =	sdelay $0x1  }
0x8b: {  	v3 =	vperm.xlane v3, v2;
	v4 =	vadd.s32 v1, v4;
	_ =	sdelay $0x1  }
0x8c: {  	v3 =	vadd.s32 v1, v3;
	_ =	sdelay $0x2  }
0x8d: {  	[tilespmem:s26], [sflag:$0x2] =	stream.indirect_vreg.gather [hbm4b:s2+s3], $0x80, v4, vm0, $0xb8;
	[tilespmem:$0x10800] =	vst v63  }
0x8e: {  	_ = 	snop  }
0x8f: {  	[tilespmem:s28], [sflag:$0x2] =	stream.indirect_vreg.gather [hbm4b:s2+s3], $0x80, v3, vm0, $0xb8;
	[tilespmem:$0x10800] =	vst v63  }
0x90: {  	v3 =	vld [tilespmem:s16+$0xFFFFFFE0];
	_ =	sdelay $0x4  }
0x91: {  	v58 =	vshll.u32 v3, $0x1  }
0x92: {  	v3 =	vand.u32 $0x7, v3;
	v4 =	vand.u32 $0xFFFFFFF0, v58  }
0x93: {  	v3 =	vor.u32 v3, v4  }
0x94: {  	v4 =	vperm.xlane v3, v0;
	_ =	sdelay $0x1  }
0x95: {  	v3 =	vperm.xlane v3, v2;
	v4 =	vadd.s32 v1, v4;
	_ =	sdelay $0x1  }
0x96: {  	v3 =	vadd.s32 v1, v3;
	_ =	sdelay $0x2  }
0x97: {  	[tilespmem:s29], [sflag:$0x2] =	stream.indirect_vreg.gather [hbm4b:s2+s3], $0x80, v4, vm0, $0xb8;
	[tilespmem:$0x10800] =	vst v63  }
0x98: {  	_ = 	snop  }
0x99: {  	[tilespmem:s30], [sflag:$0x2] =	stream.indirect_vreg.gather [hbm4b:s2+s3], $0x80, v3, vm0, $0xb8;
	[tilespmem:$0x10800] =	vst v63  }
0x9a: {  	v3 =	vld [tilespmem:s16+$0xFFFFFFF0];
	_ =	sdelay $0x4  }
0x9b: {  	v59 =	vshll.u32 v3, $0x1  }
0x9c: {  	v3 =	vand.u32 $0x7, v3;
	v4 =	vand.u32 $0xFFFFFFF0, v59  }
0x9d: {  	v3 =	vor.u32 v3, v4  }
0x9e: {  	v4 =	vperm.xlane v3, v0;
	_ =	sdelay $0x1  }
0x9f: {  	v3 =	vperm.xlane v3, v2;
	v4 =	vadd.s32 v1, v4;
	_ =	sdelay $0x1  }
0xa0: {  	v3 =	vadd.s32 v1, v3;
	_ =	sdelay $0x2  }
0xa1: {  	[tilespmem:s31], [sflag:$0x2] =	stream.indirect_vreg.gather [hbm4b:s2+s3], $0x80, v4, vm0, $0xb8;
	[tilespmem:$0x10800] =	vst v63  }
0xa2: {  	_ = 	snop  }
0xa3: {  	[tilespmem:s0], [sflag:$0x2] =	stream.indirect_vreg.gather [hbm4b:s2+s3], $0x80, v3, vm0, $0xb8;
	[tilespmem:$0x10800] =	vst v63  }
0xa4: {  	v3 =	vld [tilespmem:s16+$0x0];
	_ =	sdelay $0x4  }
0xa5: {  	v60 =	vshll.u32 v3, $0x1  }
0xa6: {  	v3 =	vand.u32 $0x7, v3;
	v4 =	vand.u32 $0xFFFFFFF0, v60  }
0xa7: {  	v3 =	vor.u32 v3, v4  }
0xa8: {  	v4 =	vperm.xlane v3, v0;
	_ =	sdelay $0x1  }
0xa9: {  	v3 =	vperm.xlane v3, v2;
	v4 =	vadd.s32 v1, v4;
	_ =	sdelay $0x1  }
0xaa: {  	v3 =	vadd.s32 v1, v3;
	_ =	sdelay $0x2  }
0xab: {  	[tilespmem:s1], [sflag:$0x2] =	stream.indirect_vreg.gather [hbm4b:s2+s3], $0x80, v4, vm0, $0xb8;
	[tilespmem:$0x10800] =	vst v63  }
0xac: {  	_ = 	snop  }
0xad: {  	[tilespmem:s4], [sflag:$0x2] =	stream.indirect_vreg.gather [hbm4b:s2+s3], $0x80, v3, vm0, $0xb8;
	[tilespmem:$0x10800] =	vst v63  }
0xae: {  	v3 =	vld [tilespmem:s16+$0x10];
	_ =	sdelay $0x4  }
0xaf: {  	v61 =	vshll.u32 v3, $0x1  }
0xb0: {  	v3 =	vand.u32 $0x7, v3;
	v4 =	vand.u32 $0xFFFFFFF0, v61  }
0xb1: {  	v3 =	vor.u32 v3, v4  }
0xb2: {  	v4 =	vperm.xlane v3, v0;
	_ =	sdelay $0x1  }
0xb3: {  	v3 =	vperm.xlane v3, v2;
	v4 =	vadd.s32 v1, v4;
	_ =	sdelay $0x1  }
0xb4: {  	v3 =	vadd.s32 v1, v3;
	_ =	sdelay $0x2  }
0xb5: {  	[tilespmem:s5], [sflag:$0x2] =	stream.indirect_vreg.gather [hbm4b:s2+s3], $0x80, v4, vm0, $0xb8;
	[tilespmem:$0x10800] =	vst v63  }
0xb6: {  	_ = 	snop  }
0xb7: {  	[tilespmem:s9], [sflag:$0x2] =	stream.indirect_vreg.gather [hbm4b:s2+s3], $0x80, v3, vm0, $0xb8;
	[tilespmem:$0x10800] =	vst v63  }
0xb8: {  	v3 =	vld [tilespmem:s16+$0x20];
	_ =	sdelay $0x4  }
0xb9: {  	v62 =	vshll.u32 v3, $0x1  }
0xba: {  	v3 =	vand.u32 $0x7, v3;
	v4 =	vand.u32 $0xFFFFFFF0, v62  }
0xbb: {  	v3 =	vor.u32 v3, v4  }
0xbc: {  	v4 =	vperm.xlane v3, v0;
	_ =	sdelay $0x1  }
0xbd: {  	v3 =	vperm.xlane v3, v2;
	v4 =	vadd.s32 v1, v4;
	_ =	sdelay $0x1  }
0xbe: {  	v3 =	vadd.s32 v1, v3;
	_ =	sdelay $0x2  }
0xbf: {  	[tilespmem:s10], [sflag:$0x2] =	stream.indirect_vreg.gather [hbm4b:s2+s3], $0x80, v4, vm0, $0xb8;
	[tilespmem:$0x10800] =	vst v63  }
0xc0: {  	_ = 	snop  }
0xc1: {  	[tilespmem:s11], [sflag:$0x2] =	stream.indirect_vreg.gather [hbm4b:s2+s3], $0x80, v3, vm0, $0xb8;
	[tilespmem:$0x10800] =	vst v63  }
0xc2: {  	v3 =	vld [tilespmem:s16+$0x30];
	_ =	sdelay $0x4  }
0xc3: {  	v63 =	vshll.u32 v3, $0x1  }
0xc4: {  	v3 =	vand.u32 $0x7, v3;
	v4 =	vand.u32 $0xFFFFFFF0, v63  }
0xc5: {  	v3 =	vor.u32 v3, v4  }
0xc6: {  	v4 =	vperm.xlane v3, v0;
	_ =	sdelay $0x1  }
0xc7: {  	v3 =	vperm.xlane v3, v2;
	v4 =	vadd.s32 v1, v4;
	_ =	sdelay $0x1  }
0xc8: {  	v3 =	vadd.s32 v1, v3;
	_ =	sdelay $0x2  }
0xc9: {  	[tilespmem:s12], [sflag:$0x2] =	stream.indirect_vreg.gather [hbm4b:s2+s3], $0x80, v4, vm0, $0xb8;
	[tilespmem:$0x10800] =	vst v63  }
0xca: {  	_ = 	snop  }
0xcb: {  	[tilespmem:s13], [sflag:$0x2] =	stream.indirect_vreg.gather [hbm4b:s2+s3], $0x80, v3, vm0, $0xb8;
	[tilespmem:$0x10800] =	vst v63  }
0xcc: {  	_ =	swait.ge [sflag:s14], $0x8000  }
0xcd: {  	p0 =	seq.s32 s17, $0xE000;
	[sflag:s14] =	ssyncset.done $0x0  }
.Ltmp4:
0xce: {  	s18 =	sadd.s32 s17, s6;
	[sflag:s14] =	ssyncadd.s32 $0xFFFF8000;
	(pc) =	sbr.rel @p0 .LBB2_4-.Ltmp4, $4  }
0xcf: {  	[hbm4b:s18+s3] =	stream.linear.scatter [tilespmem:s8], [sflag:$0x3], $0x8000, $0x38;
	[tilespmem:$0x10800] =	vst v63  }
0xd0: {  	_ =	swait.ge [sflag:s7], $0x8000  }
0xd1: {  	[sflag:s7] =	ssyncset.done $0x0  }
0xd2: {  	[sflag:s7] =	ssyncadd.s32 $0xFFFF8000  }
0xd3: {  	v3 =	vld [tilespmem:s16+$0x40];
	_ =	sdelay $0x4  }
0xd4: {  	v4 =	vshll.u32 v3, $0x1  }
0xd5: {  	v3 =	vand.u32 $0x7, v3;
	v4 =	vand.u32 $0xFFFFFFF0, v4  }
0xd6: {  	v3 =	vor.u32 v3, v4  }
0xd7: {  	v4 =	vperm.xlane v3, v0;
	_ =	sdelay $0x1  }
0xd8: {  	v3 =	vperm.xlane v3, v2;
	v4 =	vadd.s32 v1, v4;
	_ =	sdelay $0x1  }
0xd9: {  	v3 =	vadd.s32 v1, v3;
	_ =	sdelay $0x2  }
0xda: {  	[tilespmem:s8], [sflag:$0x1] =	stream.indirect_vreg.gather [hbm4b:s2+s3], $0x80, v4, vm0, $0xb8;
	[tilespmem:$0x10800] =	vst v63  }
0xdb: {  	s19 =	simm.s32 $0x1000  }
0xdc: {  	[tilespmem:s19], [sflag:$0x1] =	stream.indirect_vreg.gather [hbm4b:s2+s3], $0x80, v3, vm0, $0xb8;
	[tilespmem:$0x10800] =	vst v63  }
0xdd: {  	v3 =	vld [tilespmem:s16+$0x50];
	_ =	sdelay $0x4  }
0xde: {  	v57 =	vshll.u32 v3, $0x1  }
0xdf: {  	v3 =	vand.u32 $0x7, v3;
	v4 =	vand.u32 $0xFFFFFFF0, v57  }
0xe0: {  	v3 =	vor.u32 v3, v4  }
0xe1: {  	v4 =	vperm.xlane v3, v0;
	_ =	sdelay $0x1  }
0xe2: {  	v3 =	vperm.xlane v3, v2;
	v4 =	vadd.s32 v1, v4;
	_ =	sdelay $0x1  }
0xe3: {  	v3 =	vadd.s32 v1, v3;
	_ =	sdelay $0x1  }
0xe4: {  	s19 =	simm.s32 $0x1800  }
0xe5: {  	[tilespmem:s19], [sflag:$0x1] =	stream.indirect_vreg.gather [hbm4b:s2+s3], $0x80, v4, vm0, $0xb8;
	[tilespmem:$0x10800] =	vst v63  }
0xe6: {  	s19 =	simm.s32 $0x2000  }
0xe7: {  	[tilespmem:s19], [sflag:$0x1] =	stream.indirect_vreg.gather [hbm4b:s2+s3], $0x80, v3, vm0, $0xb8;
	[tilespmem:$0x10800] =	vst v63  }
0xe8: {  	v3 =	vld [tilespmem:s16+$0x60];
	_ =	sdelay $0x4  }
0xe9: {  	v58 =	vshll.u32 v3, $0x1  }
0xea: {  	v3 =	vand.u32 $0x7, v3;
	v4 =	vand.u32 $0xFFFFFFF0, v58  }
0xeb: {  	v3 =	vor.u32 v3, v4  }
0xec: {  	v4 =	vperm.xlane v3, v0;
	_ =	sdelay $0x1  }
0xed: {  	v3 =	vperm.xlane v3, v2;
	v4 =	vadd.s32 v1, v4;
	_ =	sdelay $0x1  }
0xee: {  	v3 =	vadd.s32 v1, v3;
	_ =	sdelay $0x1  }
0xef: {  	s19 =	simm.s32 $0x2800  }
0xf0: {  	[tilespmem:s19], [sflag:$0x1] =	stream.indirect_vreg.gather [hbm4b:s2+s3], $0x80, v4, vm0, $0xb8;
	[tilespmem:$0x10800] =	vst v63  }
0xf1: {  	s19 =	simm.s32 $0x3000  }
0xf2: {  	[tilespmem:s19], [sflag:$0x1] =	stream.indirect_vreg.gather [hbm4b:s2+s3], $0x80, v3, vm0, $0xb8;
	[tilespmem:$0x10800] =	vst v63  }
0xf3: {  	v3 =	vld [tilespmem:s16+$0x70];
	_ =	sdelay $0x4  }
0xf4: {  	v59 =	vshll.u32 v3, $0x1  }
0xf5: {  	v3 =	vand.u32 $0x7, v3;
	v4 =	vand.u32 $0xFFFFFFF0, v59  }
0xf6: {  	v3 =	vor.u32 v3, v4  }
0xf7: {  	v4 =	vperm.xlane v3, v0;
	_ =	sdelay $0x1  }
0xf8: {  	v3 =	vperm.xlane v3, v2;
	v4 =	vadd.s32 v1, v4;
	_ =	sdelay $0x1  }
0xf9: {  	v3 =	vadd.s32 v1, v3;
	_ =	sdelay $0x1  }
0xfa: {  	s19 =	simm.s32 $0x3800  }
0xfb: {  	[tilespmem:s19], [sflag:$0x1] =	stream.indirect_vreg.gather [hbm4b:s2+s3], $0x80, v4, vm0, $0xb8;
	[tilespmem:$0x10800] =	vst v63  }
0xfc: {  	s19 =	simm.s32 $0x4000  }
0xfd: {  	[tilespmem:s19], [sflag:$0x1] =	stream.indirect_vreg.gather [hbm4b:s2+s3], $0x80, v3, vm0, $0xb8;
	[tilespmem:$0x10800] =	vst v63  }
0xfe: {  	v3 =	vld [tilespmem:s16+$0x80];
	_ =	sdelay $0x4  }
0xff: {  	v60 =	vshll.u32 v3, $0x1  }
0x100: {  	v3 =	vand.u32 $0x7, v3;
	v4 =	vand.u32 $0xFFFFFFF0, v60  }
0x101: {  	v3 =	vor.u32 v3, v4  }
0x102: {  	v4 =	vperm.xlane v3, v0;
	_ =	sdelay $0x1  }
0x103: {  	v3 =	vperm.xlane v3, v2;
	v4 =	vadd.s32 v1, v4;
	_ =	sdelay $0x1  }
0x104: {  	v3 =	vadd.s32 v1, v3;
	_ =	sdelay $0x1  }
0x105: {  	s19 =	simm.s32 $0x4800  }
0x106: {  	[tilespmem:s19], [sflag:$0x1] =	stream.indirect_vreg.gather [hbm4b:s2+s3], $0x80, v4, vm0, $0xb8;
	[tilespmem:$0x10800] =	vst v63  }
0x107: {  	s19 =	simm.s32 $0x5000  }
0x108: {  	[tilespmem:s19], [sflag:$0x1] =	stream.indirect_vreg.gather [hbm4b:s2+s3], $0x80, v3, vm0, $0xb8;
	[tilespmem:$0x10800] =	vst v63  }
0x109: {  	v3 =	vld [tilespmem:s16+$0x90];
	_ =	sdelay $0x4  }
0x10a: {  	v61 =	vshll.u32 v3, $0x1  }
0x10b: {  	v3 =	vand.u32 $0x7, v3;
	v4 =	vand.u32 $0xFFFFFFF0, v61  }
0x10c: {  	v3 =	vor.u32 v3, v4  }
0x10d: {  	v4 =	vperm.xlane v3, v0;
	_ =	sdelay $0x1  }
0x10e: {  	v3 =	vperm.xlane v3, v2;
	v4 =	vadd.s32 v1, v4;
	_ =	sdelay $0x1  }
0x10f: {  	v3 =	vadd.s32 v1, v3;
	_ =	sdelay $0x1  }
0x110: {  	s19 =	simm.s32 $0x5800  }
0x111: {  	[tilespmem:s19], [sflag:$0x1] =	stream.indirect_vreg.gather [hbm4b:s2+s3], $0x80, v4, vm0, $0xb8;
	[tilespmem:$0x10800] =	vst v63  }
0x112: {  	s19 =	simm.s32 $0x6000  }
0x113: {  	[tilespmem:s19], [sflag:$0x1] =	stream.indirect_vreg.gather [hbm4b:s2+s3], $0x80, v3, vm0, $0xb8;
	[tilespmem:$0x10800] =	vst v63  }
0x114: {  	v3 =	vld [tilespmem:s16+$0xA0];
	_ =	sdelay $0x4  }
0x115: {  	v62 =	vshll.u32 v3, $0x1  }
0x116: {  	v3 =	vand.u32 $0x7, v3;
	v4 =	vand.u32 $0xFFFFFFF0, v62  }
0x117: {  	v3 =	vor.u32 v3, v4  }
0x118: {  	v4 =	vperm.xlane v3, v0;
	_ =	sdelay $0x1  }
0x119: {  	v3 =	vperm.xlane v3, v2;
	v4 =	vadd.s32 v1, v4;
	_ =	sdelay $0x1  }
0x11a: {  	v3 =	vadd.s32 v1, v3;
	_ =	sdelay $0x2  }
0x11b: {  	[tilespmem:s20], [sflag:$0x1] =	stream.indirect_vreg.gather [hbm4b:s2+s3], $0x80, v4, vm0, $0xb8;
	[tilespmem:$0x10800] =	vst v63  }
0x11c: {  	_ = 	snop  }
0x11d: {  	[tilespmem:s21], [sflag:$0x1] =	stream.indirect_vreg.gather [hbm4b:s2+s3], $0x80, v3, vm0, $0xb8;
	[tilespmem:$0x10800] =	vst v63  }
0x11e: {  	v3 =	vld [tilespmem:s16+$0xB0];
	_ =	sdelay $0x4  }
0x11f: {  	v63 =	vshll.u32 v3, $0x1  }
0x120: {  	v3 =	vand.u32 $0x7, v3;
	v4 =	vand.u32 $0xFFFFFFF0, v63  }
0x121: {  	v3 =	vor.u32 v3, v4  }
0x122: {  	v4 =	vperm.xlane v3, v0;
	_ =	sdelay $0x1  }
0x123: {  	v3 =	vperm.xlane v3, v2;
	v4 =	vadd.s32 v1, v4;
	_ =	sdelay $0x1  }
0x124: {  	v3 =	vadd.s32 v1, v3  }
.Ltmp5:
0x125: {  	_ = 	snop;
	(pc) =	sbr.rel .LBB2_4-.Ltmp5, $4  }
0x126: {  	_ = 	snop  }
0x127: {  	[tilespmem:s22], [sflag:$0x1] =	stream.indirect_vreg.gather [hbm4b:s2+s3], $0x80, v4, vm0, $0xb8;
	[tilespmem:$0x10800] =	vst v63  }
0x128: {  	_ = 	snop  }
0x129: {  	[tilespmem:s23], [sflag:$0x1] =	stream.indirect_vreg.gather [hbm4b:s2+s3], $0x80, v3, vm0, $0xb8;
	[tilespmem:$0x10800] =	vst v63  }
.LBB2_6:
0x12a: {  	_ =	sfence.sel $0x180000  }
0x12b: {  	[bflag:$0x0] =	sbarrier.arrive $0xFFFF  }
0x12c: {  	_ =	strace $0x9000004A  }
0x12d: {  	s0 =	stileid.u32;
	[bflag:$0x2] =	sbarrier.arrive $0xFFFF  }
0x12e: {  	p0 =	sne.s32 s0, $0x0;
	s0 =	rddreg [dreg:$0x2]  }
0x12f: {  	s0 =	sadd.s32 @!p0 $0x100000, s0  }
0x130: {  	[sflag:s0] =	ssyncadd.tile.s32 @!p0 $0x1;
	_ =	shalt  }
.Lfunc_end2:
_tile_overlayer_lowered:
.L_overlay_start_2:
0x131: {  	(tag) =	ssettag $0x2  }
0x132: {  	s0 =	rddreg [dreg:$0x0];
	s2 =	stileid.u32  }
0x133: {  	s1 =	rddreg [dreg:$0x1];
	p0 =	sne.s32 s2, $0x0  }
0x134: {  	s3 =	rddreg [dreg:$0x2];
	[bflag:$0x3] =	sbarrier.arrive $0xFFFF;
	s2 =	simm.s32 @!p0 $0x1C03  }
0x135: {  	[timem:s3], [sflag:s2] =	dma.local @!p0 [hbm:s0], s1  }
0x136: {  	s0 =	simm.s32 @!p0 $0x3  }
0x137: {  	_ =	swait.ge @!p0 [sflag:s0], s1  }
0x138: {  	s1 =	ssub.s32 @!p0 $0x0, s1;
	[sflag:s0] =	ssyncset.done @!p0 $0x0  }
0x139: {  	[sflag:s0] =	ssyncadd.s32 @!p0 s1  }
0x13a: {  	[bflag:$0x3] =	sbarrier.arrive $0xFFFF  }
0x13b: {  	_ =	shalt  }

// kernel: kernel.8.cloned.1.call-start
scs
__scs_entry_jumppad:
0x0: {  	(pc) =	sbr.rel $0x88, $3  }
0x1: {  	(tag) =	ssettag $0x0;
	lr =	simm.s32 $0x1  }
0x2: {  	[smem:$0x3F8F] =	sst lr;
	_ =	strace $0xD0000000  }
0x3: {  	_ = 	snop  }
0x4: {  	_ = 	snop  }
0x5: {  	_ = 	snop  }
0x6: {  	_ = 	snop  }
0x7: {  	_ = 	snop  }
__scs_overlays_trampoline_lowered:
0x8: {  	[smem:$0x3F9E] =	sst s0  }
0x9: {  	[smem:$0x3F9F] =	sst s1  }
0xa: {  	[smem:$0x3FA0] =	sst s2  }
0xb: {  	[smem:$0x3FA1] =	sst s3  }
0xc: {  	[smem:$0x3FA2] =	sst s4  }
0xd: {  	[smem:$0x3FA3] =	sst s5  }
0xe: {  	[smem:$0x3FA4] =	sst s6  }
0xf: {  	[smem:$0x3FA5] =	sst s7  }
0x10: {  	[smem:$0x3FA6] =	sst s8  }
0x11: {  	[smem:$0x3FA7] =	sst s9;
	s0 =	simm.s32 @!p0 $0x0  }
0x12: {  	s1 =	sld [smem:$0x3F8D];
	s0 =	simm.s32 @p0 $0x1  }
0x13: {  	[smem:$0x3FA8] =	sst s0;
	s0 =	simm.s32 @!p1 $0x0  }
0x14: {  	s2 =	sld [smem:$0x3F8C];
	s0 =	simm.s32 @p1 $0x1  }
0x15: {  	[smem:$0x3FA9] =	sst s0;
	s0 =	simm.s32 @!p2 $0x0  }
0x16: {  	s3 =	sld [smem:$0x3FDB];
	s0 =	simm.s32 @p2 $0x1  }
0x17: {  	s4 =	simm.s32 $0x1BF5;
	[smem:$0x3FAB] =	sst s0  }
0x18: {  	s0 =	sld [smem:$0x3F8E];
	_ =	swait.ge [sflag:s4], $0x0  }
0x19: {  	s7 =	sld [smem:$0x3F8F]  }
0x1a: {  	s8 =	sadd.s32 $0xFFFFE003, lr  }
0x1b: {  	s9 =	sadd.s32 $0xFFFFFEF7, lr;
	s5 =	simm.s32 $0xFFFFFFFF;
	p2 =	slt.u32 s8, $0xFFFFF086  }
0x1c: {  	p1 =	slt.u32 s9, $0xF7A;
	s5 =	simm.s32 @!p2 $0x0  }
0x1d: {  	s5 =	simm.s32 @p1 $0x1;
	p0 =	seq.s32 s7, s2  }
0x1e: {  	s7 =	smul.u32 @!p0 $0xF7A, s2;
	p2 =	seq.s32 @!p0 s5, $0x0  }
0x1f: {  	s9 =	smul.u32 $0xF7A, s1;
	s8 =	simm.s32 @!p0 $0x1BF5;
	p2 =	por !p2, p0  }
0x20: {  	[sflag:s8] =	ssyncset.s32 @!p0 $0xFFFFF086;
	s6 =	sadd.s32 @!p0 s3, s7;
	s7 =	simm.s32 @!p0 $0x108  }
0x21: {  	s3 =	sadd.s32 s3, s9;
	s6 =	sadd.s32 @!p0 $0x88, s6;
	s7 =	simm.s32 @p2 $0x1082  }
0x22: {  	[simem:s7], [sflag:s8] =	dma.local @!p0 [hbm:s6], $0xF7A  }
0x23: {  	s9 =	sor.u32 $0xD0000000, s2;
	s6 =	simm.s32 $0x108;
	_ =	swait.ge @!p0 [sflag:s8], $0x0  }
0x24: {  	s3 =	sadd.s32 $0x88, s3;
	s6 =	simm.s32 @!p1 $0x1082;
	[sflag:s4] =	ssyncset.s32 $0xFFFFF086  }
0x25: {  	[simem:s6], [sflag:s4] =	dma.local [hbm:s3], $0xF7A  }
0x26: {  	[smem:$0x3F8F] =	sst s1;
	(tag) =	ssettag s2;
	_ =	strace s9  }
0x27: {  	s1 =	sld [smem:$0x3F9F]  }
0x28: {  	s2 =	sld [smem:$0x3FA0]  }
0x29: {  	s4 =	sld [smem:$0x3FA2]  }
0x2a: {  	p0 =	seq.s32 s5, $0x0;
	s5 =	sld [smem:$0x3FA3]  }
0x2b: {  	s6 =	sld [smem:$0x3FA4]  }
0x2c: {  	s7 =	sld [smem:$0x3FA5]  }
0x2d: {  	s3 =	simm.s32 $0x108;
	s8 =	sld [smem:$0x3FA6]  }
0x2e: {  	s3 =	simm.s32 @!p0 $0x1082;
	s9 =	sld [smem:$0x3FA7]  }
0x2f: {  	lr =	sadd.s32 s0, s3;
	s0 =	sld [smem:$0x3F9E]  }
0x30: {  	s3 =	sld [smem:$0x3FA1]  }
0x31: {  	[smem:$0x3FAA] =	sst s10  }
0x32: {  	s10 =	sld [smem:$0x3FA8];
	_ =	sdelay $0x3  }
0x33: {  	p0 =	seq.s32 s10, $0x1;
	s10 =	sld [smem:$0x3FAA];
	_ =	sdelay $0x3  }
0x34: {  	[smem:$0x3FAA] =	sst s10  }
0x35: {  	s10 =	sld [smem:$0x3FA9];
	_ =	sdelay $0x3  }
0x36: {  	p1 =	seq.s32 s10, $0x1;
	s10 =	sld [smem:$0x3FAA];
	_ =	sdelay $0x3  }
0x37: {  	[smem:$0x3FAA] =	sst s10  }
0x38: {  	s10 =	sld [smem:$0x3FAB]  }
0x39: {  	_ = 	snop;
	(pc) =	sbr.ind lr, $3  }
0x3a: {  	_ = 	snop  }
0x3b: {  	_ = 	snop  }
0x3c: {  	p2 =	seq.s32 s10, $0x1;
	s10 =	sld [smem:$0x3FAA]  }
0x3d: {  	_ =	shalt  }
0x3e: {  	_ =	shalt  }
0x3f: {  	_ =	shalt  }
0x40: {  	_ =	shalt  }
0x41: {  	_ =	shalt  }
0x42: {  	_ =	shalt  }
0x43: {  	_ =	shalt  }
0x44: {  	_ =	shalt  }
0x45: {  	_ =	shalt  }
0x46: {  	_ =	shalt  }
0x47: {  	_ =	shalt  }
0x48: {  	_ =	shalt  }
0x49: {  	_ =	shalt  }
0x4a: {  	_ =	shalt  }
0x4b: {  	_ =	shalt  }
0x4c: {  	_ =	shalt  }
0x4d: {  	_ =	shalt  }
0x4e: {  	_ =	shalt  }
0x4f: {  	_ =	shalt  }
0x50: {  	_ =	shalt  }
0x51: {  	_ =	shalt  }
0x52: {  	_ =	shalt  }
0x53: {  	_ =	shalt  }
0x54: {  	_ =	shalt  }
0x55: {  	_ =	shalt  }
0x56: {  	_ =	shalt  }
0x57: {  	_ =	shalt  }
0x58: {  	_ =	shalt  }
0x59: {  	_ =	shalt  }
0x5a: {  	_ =	shalt  }
0x5b: {  	_ =	shalt  }
0x5c: {  	_ =	shalt  }
0x5d: {  	_ =	shalt  }
0x5e: {  	_ =	shalt  }
0x5f: {  	_ =	shalt  }
0x60: {  	_ =	shalt  }
0x61: {  	_ =	shalt  }
0x62: {  	_ =	shalt  }
0x63: {  	_ =	shalt  }
0x64: {  	_ =	shalt  }
0x65: {  	_ =	shalt  }
0x66: {  	_ =	shalt  }
0x67: {  	_ =	shalt  }
0x68: {  	_ =	shalt  }
0x69: {  	_ =	shalt  }
0x6a: {  	_ =	shalt  }
0x6b: {  	_ =	shalt  }
0x6c: {  	_ =	shalt  }
0x6d: {  	_ =	shalt  }
0x6e: {  	_ =	shalt  }
0x6f: {  	_ =	shalt  }
0x70: {  	_ =	shalt  }
0x71: {  	_ =	shalt  }
0x72: {  	_ =	shalt  }
0x73: {  	_ =	shalt  }
0x74: {  	_ =	shalt  }
0x75: {  	_ =	shalt  }
0x76: {  	_ =	shalt  }
0x77: {  	_ =	shalt  }
0x78: {  	_ =	shalt  }
0x79: {  	_ =	shalt  }
0x7a: {  	_ =	shalt  }
0x7b: {  	_ =	shalt  }
0x7c: {  	_ =	shalt  }
0x7d: {  	_ =	shalt  }
0x7e: {  	_ =	shalt  }
0x7f: {  	_ =	shalt  }
0x80: {  	_ =	shalt  }
0x81: {  	_ =	shalt  }
0x82: {  	_ =	shalt  }
0x83: {  	_ =	shalt  }
0x84: {  	_ =	shalt  }
0x85: {  	_ =	shalt  }
0x86: {  	_ =	shalt  }
0x87: {  	_ =	shalt  }
.Lfunc_end0:
.L_simem_size_0:
called_computation_lowered:
.L_overlay_start_0:
0x88: {  	s2 =	sld [smem:$0x3FD9]  }
0x89: {  	s3 =	sld [smem:$0x3FFE];
	_ =	sdelay $0x1  }
0x8a: {  	s1 =	srdreg.scid  }
0x8b: {  	s0 =	sand.u32 $0x1, s1  }
0x8c: {  	s16 =	sshll.u32 s0, $0xA;
	s2 =	sadd.s32 s3, s2  }
0x8d: {  	s2 =	sadd.s32 s2, s16  }
0x8e: {  	[smem:$0x3FB6] =	sst s2  }
0x8f: {  	_ = 	snop  }
0x90: {  	(tm) =	ssettm $0x1  }
0x91: {  	s17 =	sld [smem:$0x3FFB];
	_ =	sdelay $0x3  }
0x92: {  	_ =	strace s17  }
0x93: {  	s2 =	sld [smem:$0x3FFC];
	_ =	sdelay $0x3  }
0x94: {  	_ =	strace s2  }
0x95: {  	s2 =	sld [smem:$0x3FFD];
	_ =	sdelay $0x3  }
0x96: {  	_ =	strace s2  }
0x97: {  	_ =	strace $0x8FFFFFFF  }
0x98: {  	s18 =	sld [smem:$0x3FDB];
	_ =	sdelay $0x1  }
0x99: {  	s19 =	simm.s32 $_scs_section_size  }
0x9a: {  	s4 =	simm.s32 $_size__tile_overlayer_lowered;
	s5 =	simm.s32 $_tile_overlayer_lowered  }
0x9b: {  	s22 =	simm.s32 $0x1BFF;
	s21 =	sshll.u32 s5, $0x1;
	s2 =	sadd.s32 s19, s18  }
0x9c: {  	s6 =	simm.s32 $0x0;
	s20 =	sshll.u32 s4, $0x1;
	s4 =	sadd.s32 s21, s2  }
0x9d: {  	[timem:s6], [sflag:s22] =	dma.local [hbm:s4], s20  }
0x9e: {  	_ =	swait.ge [sflag:s22], s20  }
0x9f: {  	s3 =	ssub.s32 $0x0, s20;
	[sflag:s22] =	ssyncset.done $0x0  }
0xa0: {  	[sflag:s22] =	ssyncadd.s32 s3;
	_ =	sdelay $0x1  }
0xa1: {  	s23 =	simm.s32 $0x1B8B  }
0xa2: {  	_ =	swait.ge [sflag:s23], $0x1  }
0xa3: {  	[sflag:s23] =	ssyncset.done $0x0  }
0xa4: {  	s25 =	simm.s32 $0x1B8E;
	s24 =	sld [smem:$0x3FFE];
	[sflag:s23] =	ssyncadd.s32 $0xFFFFFFFF  }
0xa5: {  	s26 =	simm.s32 $execute0_lowered;
	[smem:$0x3FD2] =	sst s25  }
0xa6: {  	s4 =	sshll.u32 s26, $0x1;
	_ =	strace $0x80000046;
	[dreg:$0x1] =	wrdreg $0xFFFFFFFF  }
0xa7: {  	s28 =	simm.s32 $_size_execute0_lowered;
	s2 =	sadd.s32 s2, s4;
	[dreg:$0x0] =	wrdreg $0x0  }
0xa8: {  	s4 =	sshll.u32 s28, $0x1;
	[dreg:$0x2] =	wrdreg s2  }
0xa9: {  	[dreg:$0x3] =	wrdreg s4  }
0xaa: {  	[dreg:$0x4] =	wrdreg $0xC0  }
0xab: {  	_ =	task [dreg:s6], $0x5FFFF  }
0xac: {  	[dreg:$0x1] =	wrdreg $0xFFFFFFFF  }
0xad: {  	[dreg:$0x0] =	wrdreg $0x60  }
0xae: {  	[dreg:$0x2] =	wrdreg s24  }
0xaf: {  	[dreg:$0x3] =	wrdreg $0x9  }
0xb0: {  	_ =	task.clear_ibuf [dreg:s6], $0x4FFFF;
	_ =	strace $0x90000046  }
0xb1: {  	s29 =	simm.s32 $0x9;
	_ =	strace $0x80000048  }
0xb2: {  	_ =	swait.ge [sflag:s29], $0x1  }
0xb3: {  	[sflag:s29] =	ssyncadd.s32 $0xFFFFFFFF  }
0xb4: {  	_ =	strace $0x90000048  }
0xb5: {  	_ =	sfence  }
0xb6: {  	s30 =	sld [smem:$0x0];
	_ =	sdelay $0x2  }
0xb7: {  	s31 =	sshll.u32 s1, $0xD;
	s1 =	sshrl.u32 s1, $0x2  }
0xb8: {  	s3 =	sand.u32 $0x4000, s31;
	s1 =	sadd.s32 s1, s30  }
0xb9: {  	s0 =	sor.u32 s3, s0;
	s1 =	sshll.u32 s1, $0x11  }
0xba: {  	s0 =	sor.u32 s1, s0  }
0xbb: {  	s0 =	sadd.s32 $0x8F2B, s0  }
0xbc: {  	[sflag:s0] =	ssyncadd.remote.s32 $0x1  }
0xbd: {  	_ =	sfence.sel $0xFFFF  }
0xbe: {  	[dreg:$0x0] =	wrdreg $0xFFFFFFFF;
	(pc) =	sbr.abs _section_cstart, $3  }
0xbf: {  	[dreg:$0x1] =	wrdreg $0xFFFFFFFF  }
0xc0: {  	_ =	task.clear_ibuf [dreg:s6], $0x2FFFF;
	_ =	strace $0x9FFFFFFF  }
0xc1: {  	(tm) =	ssettm $0x7FFFFFFF  }
tec
execute0_lowered:
.L_overlay_start_1:
0x0: {  	(tag) =	ssettag $0x1  }
0x1: {  	s0 =	rddreg [dreg:$0x0]  }
0x2: {  	s1 =	srdreg.scid;
	s5 =	stileid.u32  }
0x3: {  	s2 =	simm.s32 $0x0;
	s8 =	simm.s32 $0x800;
	s20 =	simm.s32 $0x6800  }
0x4: {  	s21 =	simm.s32 $0x7000;
	s22 =	simm.s32 $0x7800;
	s28 =	simm.s32 $0xA000  }
0x5: {  	s29 =	simm.s32 $0xA800;
	s30 =	simm.s32 $0xB000;
	s31 =	simm.s32 $0xB800  }
0x6: {  	s9 =	simm.s32 $0xE000;
	s10 =	simm.s32 $0xE800;
	s11 =	simm.s32 $0xF000  }
0x7: {  	s12 =	simm.s32 $0xF800;
	s13 =	simm.s32 $0x10000;
	s14 =	simm.s32 $0x1  }
0x8: {  	s15 =	simm.s32 $0x2;
	s17 =	simm.s32 $0x0;
	s1 =	sand.u32 $0x1, s1  }
0x9: {  	s3 =	sshll.u32 s5, $0xC;
	[smem:$0x7FF] =	sst s2;
	s24 =	sshll.u32 s5, $0x11  }
0xa: {  	s5 =	simm.s32 $0xD800;
	s4 =	sshll.u32 s1, $0xB;
	_ =	strace $0x80000047  }
0xb: {  	s25 =	ssub.s32 $0x2, s1;
	s6 =	sadd.s32 s24, s0;
	s1 =	sshll.u32 s1, $0x10  }
0xc: {  	s24 =	simm.s32 $0x8800;
	s3 =	sor.u32 s4, s3;
	s7 =	sshrl.u32 s25, $0x1  }
0xd: {  	s1 =	sadd.s32 s1, s6;
	s3 =	sshrl.u32 s3, $0x3;
	s26 =	ssub.s32 s25, s7  }
.Ltmp0:
0xe: {  	s6 =	sadd.s32 $0x46000, s1;
	s7 =	simm.s32 $0x3;
	(pc) =	sbr.rel .LBB2_1-.Ltmp0, $4  }
0xf: {  	s25 =	simm.s32 $0x9000;
	s1 =	simm.s32 $0xC800;
	s23 =	sadd.s32 s3, s0  }
0x10: {  	v2 =	vlaneseq.u32;
	s3 =	sadd.s32 $0x24000, s0;
	s0 =	smax.u32 s26, $0x1;
	s26 =	simm.s32 $0x9800  }
0x11: {  	vm0 =	vmmov $0xffff;
	v1 =	vshrl.u32 v2, $0x3;
	s4 =	sadd.s32 $0x44000, s23;
	[dreg:$0x3] =	wrdreg s0;
	s23 =	simm.s32 $0x8000  }
0x12: {  	v0 =	vand.u32 $0x7, v2;
	v2 =	vor.u32 $0x8, v2;
	v1 =	vmul.u32 $0x8, v1;
	s0 =	simm.s32 $0xC000;
	[dreg:$0x2] =	wrdreg s4;
	s4 =	simm.s32 $0xD000  }
.LBB2_5:
0x13: {  	s17 =	rddreg [dreg:$0x4]  }
0x14: {  	s16 =	rddreg [dreg:$0x3];
	s17 =	sadd.s32 $0x1, s17  }
0x15: {  	p0 =	sne.s32 s17, s16  }
.Ltmp1:
0x16: {  	_ = 	snop;
	(pc) =	sbr.rel @!p0 .LBB2_6-.Ltmp1, $1  }
0x17: {  	_ =	sdelay $0x3  }
.LBB2_1:
0x18: {  	[dreg:$0x4] =	wrdreg s17  }
0x19: {  	s16 =	rddreg [dreg:$0x2]  }
0x1a: {  	[tilespmem:s2], [sflag:$0x3] =	stream.linear.gather [hbm4b:s16+s2], $0x800, $0x38;
	[tilespmem:$0x10800] =	vst v63  }
0x1b: {  	_ =	swait.ge [sflag:s7], $0x800  }
0x1c: {  	[sflag:s7] =	ssyncset.done $0x0  }
0x1d: {  	[sflag:s7] =	ssyncadd.s32 $0xFFFFF800  }
0x1e: {  	v3 =	vld [tilespmem:$0x0];
	_ =	sdelay $0x4  }
0x1f: {  	v4 =	vshll.u32 v3, $0x1  }
0x20: {  	v3 =	vand.u32 $0x7, v3;
	v4 =	vand.u32 $0xFFFFFFF0, v4  }
0x21: {  	v3 =	vor.u32 v3, v4  }
0x22: {  	v4 =	vperm.xlane v3, v0;
	_ =	sdelay $0x1  }
0x23: {  	v3 =	vperm.xlane v3, v2;
	v4 =	vadd.s32 v1, v4;
	_ =	sdelay $0x1  }
0x24: {  	v3 =	vadd.s32 v1, v3;
	_ =	sdelay $0x2  }
0x25: {  	[tilespmem:s8], [sflag:$0x1] =	stream.indirect_vreg.gather [hbm4b:s3+s2], $0x80, v4, vm0, $0xb8;
	[tilespmem:$0x10800] =	vst v63  }
0x26: {  	s18 =	simm.s32 $0x1000  }
0x27: {  	[tilespmem:s18], [sflag:$0x1] =	stream.indirect_vreg.gather [hbm4b:s3+s2], $0x80, v3, vm0, $0xb8;
	[tilespmem:$0x10800] =	vst v63  }
0x28: {  	v3 =	vld [tilespmem:$0x10];
	_ =	sdelay $0x4  }
0x29: {  	v57 =	vshll.u32 v3, $0x1  }
0x2a: {  	v3 =	vand.u32 $0x7, v3;
	v4 =	vand.u32 $0xFFFFFFF0, v57  }
0x2b: {  	v3 =	vor.u32 v3, v4  }
0x2c: {  	v4 =	vperm.xlane v3, v0;
	_ =	sdelay $0x1  }
0x2d: {  	v3 =	vperm.xlane v3, v2;
	v4 =	vadd.s32 v1, v4;
	_ =	sdelay $0x1  }
0x2e: {  	v3 =	vadd.s32 v1, v3;
	_ =	sdelay $0x1  }
0x2f: {  	s19 =	simm.s32 $0x1800  }
0x30: {  	[tilespmem:s19], [sflag:$0x1] =	stream.indirect_vreg.gather [hbm4b:s3+s2], $0x80, v4, vm0, $0xb8;
	[tilespmem:$0x10800] =	vst v63  }
0x31: {  	s17 =	simm.s32 $0x2000  }
0x32: {  	[tilespmem:s17], [sflag:$0x1] =	stream.indirect_vreg.gather [hbm4b:s3+s2], $0x80, v3, vm0, $0xb8;
	[tilespmem:$0x10800] =	vst v63  }
0x33: {  	v3 =	vld [tilespmem:$0x20];
	_ =	sdelay $0x4  }
0x34: {  	v58 =	vshll.u32 v3, $0x1  }
0x35: {  	v3 =	vand.u32 $0x7, v3;
	v4 =	vand.u32 $0xFFFFFFF0, v58  }
0x36: {  	v3 =	vor.u32 v3, v4  }
0x37: {  	v4 =	vperm.xlane v3, v0;
	_ =	sdelay $0x1  }
0x38: {  	v3 =	vperm.xlane v3, v2;
	v4 =	vadd.s32 v1, v4;
	_ =	sdelay $0x1  }
0x39: {  	v3 =	vadd.s32 v1, v3;
	_ =	sdelay $0x1  }
0x3a: {  	s18 =	simm.s32 $0x2800  }
0x3b: {  	[tilespmem:s18], [sflag:$0x1] =	stream.indirect_vreg.gather [hbm4b:s3+s2], $0x80, v4, vm0, $0xb8;
	[tilespmem:$0x10800] =	vst v63  }
0x3c: {  	s19 =	simm.s32 $0x3000  }
0x3d: {  	[tilespmem:s19], [sflag:$0x1] =	stream.indirect_vreg.gather [hbm4b:s3+s2], $0x80, v3, vm0, $0xb8;
	[tilespmem:$0x10800] =	vst v63  }
0x3e: {  	v3 =	vld [tilespmem:$0x30];
	_ =	sdelay $0x4  }
0x3f: {  	v59 =	vshll.u32 v3, $0x1  }
0x40: {  	v3 =	vand.u32 $0x7, v3;
	v4 =	vand.u32 $0xFFFFFFF0, v59  }
0x41: {  	v3 =	vor.u32 v3, v4  }
0x42: {  	v4 =	vperm.xlane v3, v0;
	_ =	sdelay $0x1  }
0x43: {  	v3 =	vperm.xlane v3, v2;
	v4 =	vadd.s32 v1, v4;
	_ =	sdelay $0x1  }
0x44: {  	v3 =	vadd.s32 v1, v3;
	_ =	sdelay $0x1  }
0x45: {  	s17 =	simm.s32 $0x3800  }
0x46: {  	[tilespmem:s17], [sflag:$0x1] =	stream.indirect_vreg.gather [hbm4b:s3+s2], $0x80, v4, vm0, $0xb8;
	[tilespmem:$0x10800] =	vst v63  }
0x47: {  	s18 =	simm.s32 $0x4000  }
0x48: {  	[tilespmem:s18], [sflag:$0x1] =	stream.indirect_vreg.gather [hbm4b:s3+s2], $0x80, v3, vm0, $0xb8;
	[tilespmem:$0x10800] =	vst v63  }
0x49: {  	v3 =	vld [tilespmem:$0x40];
	_ =	sdelay $0x4  }
0x4a: {  	v60 =	vshll.u32 v3, $0x1  }
0x4b: {  	v3 =	vand.u32 $0x7, v3;
	v4 =	vand.u32 $0xFFFFFFF0, v60  }
0x4c: {  	v3 =	vor.u32 v3, v4  }
0x4d: {  	v4 =	vperm.xlane v3, v0;
	_ =	sdelay $0x1  }
0x4e: {  	v3 =	vperm.xlane v3, v2;
	v4 =	vadd.s32 v1, v4;
	_ =	sdelay $0x1  }
0x4f: {  	v3 =	vadd.s32 v1, v3;
	_ =	sdelay $0x1  }
0x50: {  	s19 =	simm.s32 $0x4800  }
0x51: {  	[tilespmem:s19], [sflag:$0x1] =	stream.indirect_vreg.gather [hbm4b:s3+s2], $0x80, v4, vm0, $0xb8;
	[tilespmem:$0x10800] =	vst v63  }
0x52: {  	s17 =	simm.s32 $0x5000  }
0x53: {  	[tilespmem:s17], [sflag:$0x1] =	stream.indirect_vreg.gather [hbm4b:s3+s2], $0x80, v3, vm0, $0xb8;
	[tilespmem:$0x10800] =	vst v63  }
0x54: {  	v3 =	vld [tilespmem:$0x50];
	_ =	sdelay $0x4  }
0x55: {  	v61 =	vshll.u32 v3, $0x1  }
0x56: {  	v3 =	vand.u32 $0x7, v3;
	v4 =	vand.u32 $0xFFFFFFF0, v61  }
0x57: {  	v3 =	vor.u32 v3, v4  }
0x58: {  	v4 =	vperm.xlane v3, v0;
	_ =	sdelay $0x1  }
0x59: {  	v3 =	vperm.xlane v3, v2;
	v4 =	vadd.s32 v1, v4;
	_ =	sdelay $0x1  }
0x5a: {  	v3 =	vadd.s32 v1, v3;
	_ =	sdelay $0x1  }
0x5b: {  	s18 =	simm.s32 $0x5800  }
0x5c: {  	[tilespmem:s18], [sflag:$0x1] =	stream.indirect_vreg.gather [hbm4b:s3+s2], $0x80, v4, vm0, $0xb8;
	[tilespmem:$0x10800] =	vst v63  }
0x5d: {  	s19 =	simm.s32 $0x6000  }
0x5e: {  	[tilespmem:s19], [sflag:$0x1] =	stream.indirect_vreg.gather [hbm4b:s3+s2], $0x80, v3, vm0, $0xb8;
	[tilespmem:$0x10800] =	vst v63  }
0x5f: {  	v3 =	vld [tilespmem:$0x60];
	_ =	sdelay $0x4  }
0x60: {  	v62 =	vshll.u32 v3, $0x1  }
0x61: {  	v3 =	vand.u32 $0x7, v3;
	v4 =	vand.u32 $0xFFFFFFF0, v62  }
0x62: {  	v3 =	vor.u32 v3, v4  }
0x63: {  	v4 =	vperm.xlane v3, v0;
	_ =	sdelay $0x1  }
0x64: {  	v3 =	vperm.xlane v3, v2;
	v4 =	vadd.s32 v1, v4;
	_ =	sdelay $0x1  }
0x65: {  	v3 =	vadd.s32 v1, v3;
	_ =	sdelay $0x2  }
0x66: {  	[tilespmem:s20], [sflag:$0x1] =	stream.indirect_vreg.gather [hbm4b:s3+s2], $0x80, v4, vm0, $0xb8;
	[tilespmem:$0x10800] =	vst v63  }
0x67: {  	_ = 	snop  }
0x68: {  	[tilespmem:s21], [sflag:$0x1] =	stream.indirect_vreg.gather [hbm4b:s3+s2], $0x80, v3, vm0, $0xb8;
	[tilespmem:$0x10800] =	vst v63  }
0x69: {  	v3 =	vld [tilespmem:$0x70];
	_ =	sdelay $0x4  }
0x6a: {  	v63 =	vshll.u32 v3, $0x1  }
0x6b: {  	v3 =	vand.u32 $0x7, v3;
	v4 =	vand.u32 $0xFFFFFFF0, v63  }
0x6c: {  	v3 =	vor.u32 v3, v4  }
0x6d: {  	v4 =	vperm.xlane v3, v0;
	_ =	sdelay $0x1  }
0x6e: {  	v3 =	vperm.xlane v3, v2;
	v4 =	vadd.s32 v1, v4;
	_ =	sdelay $0x1  }
0x6f: {  	v3 =	vadd.s32 v1, v3  }
.Ltmp2:
0x70: {  	_ = 	snop;
	(pc) =	sbr.rel .LBB2_2-.Ltmp2, $4  }
0x71: {  	_ = 	snop  }
0x72: {  	[tilespmem:s22], [sflag:$0x1] =	stream.indirect_vreg.gather [hbm4b:s3+s2], $0x80, v4, vm0, $0xb8;
	[tilespmem:$0x10800] =	vst v63  }
0x73: {  	s16 =	simm.s32 $0xC0;
	s17 =	simm.s32 $0x0  }
0x74: {  	[tilespmem:s23], [sflag:$0x1] =	stream.indirect_vreg.gather [hbm4b:s3+s2], $0x80, v3, vm0, $0xb8;
	[tilespmem:$0x10800] =	vst v63  }
.LBB2_4:
0x75: {  	_ =	swait.ge [sflag:s15], $0x8000;
	s17 =	sadd.s32 $0x2000, s17  }
0x76: {  	[sflag:s15] =	ssyncset.done $0x0;
	p0 =	sne.s32 s17, $0x10000  }
.Ltmp3:
0x77: {  	s18 =	sadd.s32 $0x1000, s18;
	[sflag:s15] =	ssyncadd.s32 $0xFFFF8000;
	(pc) =	sbr.rel @!p0 .LBB2_5-.Ltmp3, $4  }
0x78: {  	[hbm4b:s18+s2] =	stream.linear.scatter [tilespmem:s24], [sflag:$0x3], $0x8000, $0x38;
	[tilespmem:$0x10800] =	vst v63  }
0x79: {  	_ =	swait.ge [sflag:s7], $0x8000  }
0x7a: {  	[sflag:s7] =	ssyncset.done $0x0  }
0x7b: {  	s16 =	sadd.s32 $0x100, s16;
	[sflag:s7] =	ssyncadd.s32 $0xFFFF8000  }
.LBB2_2:
0x7c: {  	v3 =	vld [tilespmem:s16+$0xFFFFFFC0];
	_ =	sdelay $0x4  }
0x7d: {  	v4 =	vshll.u32 v3, $0x1  }
0x7e: {  	v3 =	vand.u32 $0x7, v3;
	v4 =	vand.u32 $0xFFFFFFF0, v4  }
0x7f: {  	v3 =	vor.u32 v3, v4  }
0x80: {  	v4 =	vperm.xlane v3, v0;
	_ =	sdelay $0x1  }
0x81: {  	v3 =	vperm.xlane v3, v2;
	v4 =	vadd.s32 v1, v4;
	_ =	sdelay $0x1  }
0x82: {  	v3 =	vadd.s32 v1, v3;
	_ =	sdelay $0x2  }
0x83: {  	[tilespmem:s24], [sflag:$0x2] =	stream.indirect_vreg.gather [hbm4b:s3+s2], $0x80, v4, vm0, $0xb8;
	[tilespmem:$0x10800] =	vst v63  }
0x84: {  	_ = 	snop  }
0x85: {  	[tilespmem:s25], [sflag:$0x2] =	stream.indirect_vreg.gather [hbm4b:s3+s2], $0x80, v3, vm0, $0xb8;
	[tilespmem:$0x10800] =	vst v63  }
0x86: {  	v3 =	vld [tilespmem:s16+$0xFFFFFFD0];
	_ =	sdelay $0x4  }
0x87: {  	v57 =	vshll.u32 v3, $0x1  }
0x88: {  	v3 =	vand.u32 $0x7, v3;
	v4 =	vand.u32 $0xFFFFFFF0, v57  }
0x89: {  	v3 =	vor.u32 v3, v4  }
0x8a: {  	v4 =	vperm.xlane v3, v0;
	_ =	sdelay $0x1  }
0x8b: {  	v3 =	vperm.xlane v3, v2;
	v4 =	vadd.s32 v1, v4;
	_ =	sdelay $0x1  }
0x8c: {  	v3 =	vadd.s32 v1, v3;
	_ =	sdelay $0x2  }
0x8d: {  	[tilespmem:s26], [sflag:$0x2] =	stream.indirect_vreg.gather [hbm4b:s3+s2], $0x80, v4, vm0, $0xb8;
	[tilespmem:$0x10800] =	vst v63  }
0x8e: {  	_ = 	snop  }
0x8f: {  	[tilespmem:s28], [sflag:$0x2] =	stream.indirect_vreg.gather [hbm4b:s3+s2], $0x80, v3, vm0, $0xb8;
	[tilespmem:$0x10800] =	vst v63  }
0x90: {  	v3 =	vld [tilespmem:s16+$0xFFFFFFE0];
	_ =	sdelay $0x4  }
0x91: {  	v58 =	vshll.u32 v3, $0x1  }
0x92: {  	v3 =	vand.u32 $0x7, v3;
	v4 =	vand.u32 $0xFFFFFFF0, v58  }
0x93: {  	v3 =	vor.u32 v3, v4  }
0x94: {  	v4 =	vperm.xlane v3, v0;
	_ =	sdelay $0x1  }
0x95: {  	v3 =	vperm.xlane v3, v2;
	v4 =	vadd.s32 v1, v4;
	_ =	sdelay $0x1  }
0x96: {  	v3 =	vadd.s32 v1, v3;
	_ =	sdelay $0x2  }
0x97: {  	[tilespmem:s29], [sflag:$0x2] =	stream.indirect_vreg.gather [hbm4b:s3+s2], $0x80, v4, vm0, $0xb8;
	[tilespmem:$0x10800] =	vst v63  }
0x98: {  	_ = 	snop  }
0x99: {  	[tilespmem:s30], [sflag:$0x2] =	stream.indirect_vreg.gather [hbm4b:s3+s2], $0x80, v3, vm0, $0xb8;
	[tilespmem:$0x10800] =	vst v63  }
0x9a: {  	v3 =	vld [tilespmem:s16+$0xFFFFFFF0];
	_ =	sdelay $0x4  }
0x9b: {  	v59 =	vshll.u32 v3, $0x1  }
0x9c: {  	v3 =	vand.u32 $0x7, v3;
	v4 =	vand.u32 $0xFFFFFFF0, v59  }
0x9d: {  	v3 =	vor.u32 v3, v4  }
0x9e: {  	v4 =	vperm.xlane v3, v0;
	_ =	sdelay $0x1  }
0x9f: {  	v3 =	vperm.xlane v3, v2;
	v4 =	vadd.s32 v1, v4;
	_ =	sdelay $0x1  }
0xa0: {  	v3 =	vadd.s32 v1, v3;
	_ =	sdelay $0x2  }
0xa1: {  	[tilespmem:s31], [sflag:$0x2] =	stream.indirect_vreg.gather [hbm4b:s3+s2], $0x80, v4, vm0, $0xb8;
	[tilespmem:$0x10800] =	vst v63  }
0xa2: {  	_ = 	snop  }
0xa3: {  	[tilespmem:s0], [sflag:$0x2] =	stream.indirect_vreg.gather [hbm4b:s3+s2], $0x80, v3, vm0, $0xb8;
	[tilespmem:$0x10800] =	vst v63  }
0xa4: {  	v3 =	vld [tilespmem:s16+$0x0];
	_ =	sdelay $0x4  }
0xa5: {  	v60 =	vshll.u32 v3, $0x1  }
0xa6: {  	v3 =	vand.u32 $0x7, v3;
	v4 =	vand.u32 $0xFFFFFFF0, v60  }
0xa7: {  	v3 =	vor.u32 v3, v4  }
0xa8: {  	v4 =	vperm.xlane v3, v0;
	_ =	sdelay $0x1  }
0xa9: {  	v3 =	vperm.xlane v3, v2;
	v4 =	vadd.s32 v1, v4;
	_ =	sdelay $0x1  }
0xaa: {  	v3 =	vadd.s32 v1, v3;
	_ =	sdelay $0x2  }
0xab: {  	[tilespmem:s1], [sflag:$0x2] =	stream.indirect_vreg.gather [hbm4b:s3+s2], $0x80, v4, vm0, $0xb8;
	[tilespmem:$0x10800] =	vst v63  }
0xac: {  	_ = 	snop  }
0xad: {  	[tilespmem:s4], [sflag:$0x2] =	stream.indirect_vreg.gather [hbm4b:s3+s2], $0x80, v3, vm0, $0xb8;
	[tilespmem:$0x10800] =	vst v63  }
0xae: {  	v3 =	vld [tilespmem:s16+$0x10];
	_ =	sdelay $0x4  }
0xaf: {  	v61 =	vshll.u32 v3, $0x1  }
0xb0: {  	v3 =	vand.u32 $0x7, v3;
	v4 =	vand.u32 $0xFFFFFFF0, v61  }
0xb1: {  	v3 =	vor.u32 v3, v4  }
0xb2: {  	v4 =	vperm.xlane v3, v0;
	_ =	sdelay $0x1  }
0xb3: {  	v3 =	vperm.xlane v3, v2;
	v4 =	vadd.s32 v1, v4;
	_ =	sdelay $0x1  }
0xb4: {  	v3 =	vadd.s32 v1, v3;
	_ =	sdelay $0x2  }
0xb5: {  	[tilespmem:s5], [sflag:$0x2] =	stream.indirect_vreg.gather [hbm4b:s3+s2], $0x80, v4, vm0, $0xb8;
	[tilespmem:$0x10800] =	vst v63  }
0xb6: {  	_ = 	snop  }
0xb7: {  	[tilespmem:s9], [sflag:$0x2] =	stream.indirect_vreg.gather [hbm4b:s3+s2], $0x80, v3, vm0, $0xb8;
	[tilespmem:$0x10800] =	vst v63  }
0xb8: {  	v3 =	vld [tilespmem:s16+$0x20];
	_ =	sdelay $0x4  }
0xb9: {  	v62 =	vshll.u32 v3, $0x1  }
0xba: {  	v3 =	vand.u32 $0x7, v3;
	v4 =	vand.u32 $0xFFFFFFF0, v62  }
0xbb: {  	v3 =	vor.u32 v3, v4  }
0xbc: {  	v4 =	vperm.xlane v3, v0;
	_ =	sdelay $0x1  }
0xbd: {  	v3 =	vperm.xlane v3, v2;
	v4 =	vadd.s32 v1, v4;
	_ =	sdelay $0x1  }
0xbe: {  	v3 =	vadd.s32 v1, v3;
	_ =	sdelay $0x2  }
0xbf: {  	[tilespmem:s10], [sflag:$0x2] =	stream.indirect_vreg.gather [hbm4b:s3+s2], $0x80, v4, vm0, $0xb8;
	[tilespmem:$0x10800] =	vst v63  }
0xc0: {  	_ = 	snop  }
0xc1: {  	[tilespmem:s11], [sflag:$0x2] =	stream.indirect_vreg.gather [hbm4b:s3+s2], $0x80, v3, vm0, $0xb8;
	[tilespmem:$0x10800] =	vst v63  }
0xc2: {  	v3 =	vld [tilespmem:s16+$0x30];
	_ =	sdelay $0x4  }
0xc3: {  	v63 =	vshll.u32 v3, $0x1  }
0xc4: {  	v3 =	vand.u32 $0x7, v3;
	v4 =	vand.u32 $0xFFFFFFF0, v63  }
0xc5: {  	v3 =	vor.u32 v3, v4  }
0xc6: {  	v4 =	vperm.xlane v3, v0;
	_ =	sdelay $0x1  }
0xc7: {  	v3 =	vperm.xlane v3, v2;
	v4 =	vadd.s32 v1, v4;
	_ =	sdelay $0x1  }
0xc8: {  	v3 =	vadd.s32 v1, v3;
	_ =	sdelay $0x2  }
0xc9: {  	[tilespmem:s12], [sflag:$0x2] =	stream.indirect_vreg.gather [hbm4b:s3+s2], $0x80, v4, vm0, $0xb8;
	[tilespmem:$0x10800] =	vst v63  }
0xca: {  	_ = 	snop  }
0xcb: {  	[tilespmem:s13], [sflag:$0x2] =	stream.indirect_vreg.gather [hbm4b:s3+s2], $0x80, v3, vm0, $0xb8;
	[tilespmem:$0x10800] =	vst v63  }
0xcc: {  	_ =	swait.ge [sflag:s14], $0x8000  }
0xcd: {  	p0 =	seq.s32 s17, $0xE000;
	[sflag:s14] =	ssyncset.done $0x0  }
.Ltmp4:
0xce: {  	s18 =	sadd.s32 s17, s6;
	[sflag:s14] =	ssyncadd.s32 $0xFFFF8000;
	(pc) =	sbr.rel @p0 .LBB2_4-.Ltmp4, $4  }
0xcf: {  	[hbm4b:s18+s2] =	stream.linear.scatter [tilespmem:s8], [sflag:$0x3], $0x8000, $0x38;
	[tilespmem:$0x10800] =	vst v63  }
0xd0: {  	_ =	swait.ge [sflag:s7], $0x8000  }
0xd1: {  	[sflag:s7] =	ssyncset.done $0x0  }
0xd2: {  	[sflag:s7] =	ssyncadd.s32 $0xFFFF8000  }
0xd3: {  	v3 =	vld [tilespmem:s16+$0x40];
	_ =	sdelay $0x4  }
0xd4: {  	v4 =	vshll.u32 v3, $0x1  }
0xd5: {  	v3 =	vand.u32 $0x7, v3;
	v4 =	vand.u32 $0xFFFFFFF0, v4  }
0xd6: {  	v3 =	vor.u32 v3, v4  }
0xd7: {  	v4 =	vperm.xlane v3, v0;
	_ =	sdelay $0x1  }
0xd8: {  	v3 =	vperm.xlane v3, v2;
	v4 =	vadd.s32 v1, v4;
	_ =	sdelay $0x1  }
0xd9: {  	v3 =	vadd.s32 v1, v3;
	_ =	sdelay $0x2  }
0xda: {  	[tilespmem:s8], [sflag:$0x1] =	stream.indirect_vreg.gather [hbm4b:s3+s2], $0x80, v4, vm0, $0xb8;
	[tilespmem:$0x10800] =	vst v63  }
0xdb: {  	s19 =	simm.s32 $0x1000  }
0xdc: {  	[tilespmem:s19], [sflag:$0x1] =	stream.indirect_vreg.gather [hbm4b:s3+s2], $0x80, v3, vm0, $0xb8;
	[tilespmem:$0x10800] =	vst v63  }
0xdd: {  	v3 =	vld [tilespmem:s16+$0x50];
	_ =	sdelay $0x4  }
0xde: {  	v57 =	vshll.u32 v3, $0x1  }
0xdf: {  	v3 =	vand.u32 $0x7, v3;
	v4 =	vand.u32 $0xFFFFFFF0, v57  }
0xe0: {  	v3 =	vor.u32 v3, v4  }
0xe1: {  	v4 =	vperm.xlane v3, v0;
	_ =	sdelay $0x1  }
0xe2: {  	v3 =	vperm.xlane v3, v2;
	v4 =	vadd.s32 v1, v4;
	_ =	sdelay $0x1  }
0xe3: {  	v3 =	vadd.s32 v1, v3;
	_ =	sdelay $0x1  }
0xe4: {  	s19 =	simm.s32 $0x1800  }
0xe5: {  	[tilespmem:s19], [sflag:$0x1] =	stream.indirect_vreg.gather [hbm4b:s3+s2], $0x80, v4, vm0, $0xb8;
	[tilespmem:$0x10800] =	vst v63  }
0xe6: {  	s19 =	simm.s32 $0x2000  }
0xe7: {  	[tilespmem:s19], [sflag:$0x1] =	stream.indirect_vreg.gather [hbm4b:s3+s2], $0x80, v3, vm0, $0xb8;
	[tilespmem:$0x10800] =	vst v63  }
0xe8: {  	v3 =	vld [tilespmem:s16+$0x60];
	_ =	sdelay $0x4  }
0xe9: {  	v58 =	vshll.u32 v3, $0x1  }
0xea: {  	v3 =	vand.u32 $0x7, v3;
	v4 =	vand.u32 $0xFFFFFFF0, v58  }
0xeb: {  	v3 =	vor.u32 v3, v4  }
0xec: {  	v4 =	vperm.xlane v3, v0;
	_ =	sdelay $0x1  }
0xed: {  	v3 =	vperm.xlane v3, v2;
	v4 =	vadd.s32 v1, v4;
	_ =	sdelay $0x1  }
0xee: {  	v3 =	vadd.s32 v1, v3;
	_ =	sdelay $0x1  }
0xef: {  	s19 =	simm.s32 $0x2800  }
0xf0: {  	[tilespmem:s19], [sflag:$0x1] =	stream.indirect_vreg.gather [hbm4b:s3+s2], $0x80, v4, vm0, $0xb8;
	[tilespmem:$0x10800] =	vst v63  }
0xf1: {  	s19 =	simm.s32 $0x3000  }
0xf2: {  	[tilespmem:s19], [sflag:$0x1] =	stream.indirect_vreg.gather [hbm4b:s3+s2], $0x80, v3, vm0, $0xb8;
	[tilespmem:$0x10800] =	vst v63  }
0xf3: {  	v3 =	vld [tilespmem:s16+$0x70];
	_ =	sdelay $0x4  }
0xf4: {  	v59 =	vshll.u32 v3, $0x1  }
0xf5: {  	v3 =	vand.u32 $0x7, v3;
	v4 =	vand.u32 $0xFFFFFFF0, v59  }
0xf6: {  	v3 =	vor.u32 v3, v4  }
0xf7: {  	v4 =	vperm.xlane v3, v0;
	_ =	sdelay $0x1  }
0xf8: {  	v3 =	vperm.xlane v3, v2;
	v4 =	vadd.s32 v1, v4;
	_ =	sdelay $0x1  }
0xf9: {  	v3 =	vadd.s32 v1, v3;
	_ =	sdelay $0x1  }
0xfa: {  	s19 =	simm.s32 $0x3800  }
0xfb: {  	[tilespmem:s19], [sflag:$0x1] =	stream.indirect_vreg.gather [hbm4b:s3+s2], $0x80, v4, vm0, $0xb8;
	[tilespmem:$0x10800] =	vst v63  }
0xfc: {  	s19 =	simm.s32 $0x4000  }
0xfd: {  	[tilespmem:s19], [sflag:$0x1] =	stream.indirect_vreg.gather [hbm4b:s3+s2], $0x80, v3, vm0, $0xb8;
	[tilespmem:$0x10800] =	vst v63  }
0xfe: {  	v3 =	vld [tilespmem:s16+$0x80];
	_ =	sdelay $0x4  }
0xff: {  	v60 =	vshll.u32 v3, $0x1  }
0x100: {  	v3 =	vand.u32 $0x7, v3;
	v4 =	vand.u32 $0xFFFFFFF0, v60  }
0x101: {  	v3 =	vor.u32 v3, v4  }
0x102: {  	v4 =	vperm.xlane v3, v0;
	_ =	sdelay $0x1  }
0x103: {  	v3 =	vperm.xlane v3, v2;
	v4 =	vadd.s32 v1, v4;
	_ =	sdelay $0x1  }
0x104: {  	v3 =	vadd.s32 v1, v3;
	_ =	sdelay $0x1  }
0x105: {  	s19 =	simm.s32 $0x4800  }
0x106: {  	[tilespmem:s19], [sflag:$0x1] =	stream.indirect_vreg.gather [hbm4b:s3+s2], $0x80, v4, vm0, $0xb8;
	[tilespmem:$0x10800] =	vst v63  }
0x107: {  	s19 =	simm.s32 $0x5000  }
0x108: {  	[tilespmem:s19], [sflag:$0x1] =	stream.indirect_vreg.gather [hbm4b:s3+s2], $0x80, v3, vm0, $0xb8;
	[tilespmem:$0x10800] =	vst v63  }
0x109: {  	v3 =	vld [tilespmem:s16+$0x90];
	_ =	sdelay $0x4  }
0x10a: {  	v61 =	vshll.u32 v3, $0x1  }
0x10b: {  	v3 =	vand.u32 $0x7, v3;
	v4 =	vand.u32 $0xFFFFFFF0, v61  }
0x10c: {  	v3 =	vor.u32 v3, v4  }
0x10d: {  	v4 =	vperm.xlane v3, v0;
	_ =	sdelay $0x1  }
0x10e: {  	v3 =	vperm.xlane v3, v2;
	v4 =	vadd.s32 v1, v4;
	_ =	sdelay $0x1  }
0x10f: {  	v3 =	vadd.s32 v1, v3;
	_ =	sdelay $0x1  }
0x110: {  	s19 =	simm.s32 $0x5800  }
0x111: {  	[tilespmem:s19], [sflag:$0x1] =	stream.indirect_vreg.gather [hbm4b:s3+s2], $0x80, v4, vm0, $0xb8;
	[tilespmem:$0x10800] =	vst v63  }
0x112: {  	s19 =	simm.s32 $0x6000  }
0x113: {  	[tilespmem:s19], [sflag:$0x1] =	stream.indirect_vreg.gather [hbm4b:s3+s2], $0x80, v3, vm0, $0xb8;
	[tilespmem:$0x10800] =	vst v63  }
0x114: {  	v3 =	vld [tilespmem:s16+$0xA0];
	_ =	sdelay $0x4  }
0x115: {  	v62 =	vshll.u32 v3, $0x1  }
0x116: {  	v3 =	vand.u32 $0x7, v3;
	v4 =	vand.u32 $0xFFFFFFF0, v62  }
0x117: {  	v3 =	vor.u32 v3, v4  }
0x118: {  	v4 =	vperm.xlane v3, v0;
	_ =	sdelay $0x1  }
0x119: {  	v3 =	vperm.xlane v3, v2;
	v4 =	vadd.s32 v1, v4;
	_ =	sdelay $0x1  }
0x11a: {  	v3 =	vadd.s32 v1, v3;
	_ =	sdelay $0x2  }
0x11b: {  	[tilespmem:s20], [sflag:$0x1] =	stream.indirect_vreg.gather [hbm4b:s3+s2], $0x80, v4, vm0, $0xb8;
	[tilespmem:$0x10800] =	vst v63  }
0x11c: {  	_ = 	snop  }
0x11d: {  	[tilespmem:s21], [sflag:$0x1] =	stream.indirect_vreg.gather [hbm4b:s3+s2], $0x80, v3, vm0, $0xb8;
	[tilespmem:$0x10800] =	vst v63  }
0x11e: {  	v3 =	vld [tilespmem:s16+$0xB0];
	_ =	sdelay $0x4  }
0x11f: {  	v63 =	vshll.u32 v3, $0x1  }
0x120: {  	v3 =	vand.u32 $0x7, v3;
	v4 =	vand.u32 $0xFFFFFFF0, v63  }
0x121: {  	v3 =	vor.u32 v3, v4  }
0x122: {  	v4 =	vperm.xlane v3, v0;
	_ =	sdelay $0x1  }
0x123: {  	v3 =	vperm.xlane v3, v2;
	v4 =	vadd.s32 v1, v4;
	_ =	sdelay $0x1  }
0x124: {  	v3 =	vadd.s32 v1, v3  }
.Ltmp5:
0x125: {  	_ = 	snop;
	(pc) =	sbr.rel .LBB2_4-.Ltmp5, $4  }
0x126: {  	_ = 	snop  }
0x127: {  	[tilespmem:s22], [sflag:$0x1] =	stream.indirect_vreg.gather [hbm4b:s3+s2], $0x80, v4, vm0, $0xb8;
	[tilespmem:$0x10800] =	vst v63  }
0x128: {  	_ = 	snop  }
0x129: {  	[tilespmem:s23], [sflag:$0x1] =	stream.indirect_vreg.gather [hbm4b:s3+s2], $0x80, v3, vm0, $0xb8;
	[tilespmem:$0x10800] =	vst v63  }
.LBB2_6:
0x12a: {  	_ =	sfence.sel $0x180000  }
0x12b: {  	[bflag:$0x0] =	sbarrier.arrive $0xFFFF  }
0x12c: {  	_ =	strace $0x90000047  }
0x12d: {  	s0 =	stileid.u32;
	[bflag:$0x2] =	sbarrier.arrive $0xFFFF  }
0x12e: {  	p0 =	sne.s32 s0, $0x0;
	s0 =	rddreg [dreg:$0x1]  }
0x12f: {  	s0 =	sadd.s32 @!p0 $0x100000, s0  }
0x130: {  	[sflag:s0] =	ssyncadd.tile.s32 @!p0 $0x1;
	_ =	shalt  }
.Lfunc_end2:
_tile_overlayer_lowered:
.L_overlay_start_2:
0x131: {  	(tag) =	ssettag $0x2  }
0x132: {  	s0 =	rddreg [dreg:$0x0];
	s2 =	stileid.u32  }
0x133: {  	s1 =	rddreg [dreg:$0x1];
	p0 =	sne.s32 s2, $0x0  }
0x134: {  	s3 =	rddreg [dreg:$0x2];
	[bflag:$0x3] =	sbarrier.arrive $0xFFFF;
	s2 =	simm.s32 @!p0 $0x1C03  }
0x135: {  	[timem:s3], [sflag:s2] =	dma.local @!p0 [hbm:s0], s1  }
0x136: {  	s0 =	simm.s32 @!p0 $0x3  }
0x137: {  	_ =	swait.ge @!p0 [sflag:s0], s1  }
0x138: {  	s1 =	ssub.s32 @!p0 $0x0, s1;
	[sflag:s0] =	ssyncset.done @!p0 $0x0  }
0x139: {  	[sflag:s0] =	ssyncadd.s32 @!p0 s1  }
0x13a: {  	[bflag:$0x3] =	sbarrier.arrive $0xFFFF  }
0x13b: {  	_ =	shalt  }

</sc_bundles>
